<compile_context>
chip_gen: v7x
topology: tpu7x:2x2x1
jax: 0.10.2.dev20260603
libtpu: 0.0.44.dev20260713+nightly
codegen_flags: <defaults>
</compile_context>

<pallas_src>
import functools

import jax
import jax.numpy as jnp
from jax import lax
from jax.experimental import pallas as pl
from jax.experimental.pallas import tpu as pltpu
from jax.experimental.pallas import tpu_sc as plsc

N_BUS = 1000
BATCH = 10
N = N_BUS * BATCH
E = 320000
FP = 16
EPS = 1e-5

NC = 2
NS = 16
NW = NC * NS
CH = 80
NSTEP = 125
NB = 5
NGRP = NSTEP // NB
NPAD = 10240
RPW = NPAD // NS
PR = NPAD // 8
RR = N // 8


@functools.cache
def _make_segsum_sc():
    mesh = plsc.VectorSubcoreMesh(core_axis_name="c", subcore_axis_name="s")
    return functools.partial(
        pl.kernel,
        mesh=mesh,
        compiler_params=pltpu.CompilerParams(use_tc_tiling_on_sc=False),
        out_type=[jax.ShapeDtypeStruct((NPAD, FP), jnp.float32)] * NC,
        scratch_types=[
            pltpu.VMEM((NSTEP, CH), jnp.int32),
            pltpu.VMEM((NSTEP, CH), jnp.int32),
            [pltpu.VMEM((CH, FP), jnp.float32)] * NB,
            pltpu.VMEM_SHARED((NPAD, FP), jnp.float32),
            pltpu.VMEM_SHARED((NPAD, FP), jnp.float32),
            [pltpu.SemaphoreType.DMA] * NB,
            [pltpu.SemaphoreType.DMA] * NB,
        ],
    )(_segsum_body)


def _segsum_body(m_hbm, ei_hbm, zeros_hbm, out0_hbm, out1_hbm,
                 src_v, dst_v, rows, acc_sh, table_sh, gsem, ssem):
    c = lax.axis_index("c")
    s = lax.axis_index("s")
    wid = c * NS + s

    pltpu.sync_copy(ei_hbm.at[0, wid], src_v)
    pltpu.sync_copy(ei_hbm.at[1, wid], dst_v)
    pltpu.sync_copy(m_hbm.at[pl.ds(s * RPW, RPW)],
                    table_sh.at[pl.ds(s * RPW, RPW)])
    pltpu.sync_copy(zeros_hbm.at[pl.ds(s * RPW, RPW)],
                    acc_sh.at[pl.ds(s * RPW, RPW)])
    plsc.subcore_barrier()

    for b in range(NB):
        pltpu.async_copy(table_sh.at[src_v.at[b]], rows[b], gsem[b])

    def group(g, reissue):
        base = g * NB
        scatters = []
        for b in range(NB):
            j = base + b
            pltpu.make_async_copy(table_sh.at[src_v.at[j]], rows[b],
                                  gsem[b]).wait()
            scatters.append(pltpu.async_copy(
                rows[b], acc_sh.at[dst_v.at[j]], ssem[b], add=True))
        for b in range(NB):
            scatters[b].wait()
            if reissue:
                pltpu.async_copy(table_sh.at[src_v.at[base + NB + b]],
                                 rows[b], gsem[b])
        return 0

    lax.fori_loop(0, NGRP - 1, lambda g, _: group(g, True), 0)
    group(NGRP - 1, False)
    plsc.subcore_barrier()

    @pl.when(c == 0)
    def _():
        pltpu.sync_copy(acc_sh.at[pl.ds(s * RPW, RPW)],
                        out0_hbm.at[pl.ds(s * RPW, RPW)])

    @pl.when(c == 1)
    def _():
        pltpu.sync_copy(acc_sh.at[pl.ds(s * RPW, RPW)],
                        out1_hbm.at[pl.ds(s * RPW, RPW)])


_HI = lax.Precision.HIGHEST


def _proj_body(x3_ref, wb_ref, o_ref):
    mr = jnp.dot(x3_ref[:, 0, :], wb_ref[0],
                 preferred_element_type=jnp.float32)
    for a in range(1, 8):
        mr = mr + jnp.dot(x3_ref[:, a, :], wb_ref[a],
                          preferred_element_type=jnp.float32)
    o_ref[...] = jnp.pad(mr, ((0, PR - RR), (0, 0)))


def _bn_relu(h, g, bt, gmat):
    mask = lax.broadcasted_iota(jnp.int32, (PR, 128), 0) < RR
    hm = jnp.where(mask, h, 0.0)
    s1 = jnp.sum(hm, axis=0, keepdims=True)
    s2 = jnp.sum(hm * hm, axis=0, keepdims=True)
    mu = jnp.dot(s1, gmat, preferred_element_type=jnp.float32,
                 precision=_HI) * (1.0 / N)
    ex2 = jnp.dot(s2, gmat, preferred_element_type=jnp.float32,
                  precision=_HI) * (1.0 / N)
    var = ex2 - mu * mu
    return jnp.maximum(g * (h - mu) * lax.rsqrt(var + EPS) + bt, 0.0)


def _mid_body(r_ref, p0_ref, p1_ref, b_ref, g_ref, bt_ref, gmat_ref,
              wrelb_ref, wrootb_ref, m2_ref, r2_ref):
    h = r_ref[...] + p0_ref[...] + p1_ref[...] + b_ref[...]
    h1 = _bn_relu(h, g_ref[...], bt_ref[...], gmat_ref[...])
    m2_ref[...] = jnp.dot(h1, wrelb_ref[...],
                          preferred_element_type=jnp.float32, precision=_HI)
    r2_ref[...] = jnp.dot(h1, wrootb_ref[...],
                          preferred_element_type=jnp.float32, precision=_HI)


def _last_body(r_ref, p0_ref, p1_ref, b_ref, g_ref, bt_ref, gmat_ref, h2_ref):
    h = r_ref[...] + p0_ref[...] + p1_ref[...] + b_ref[...]
    h2_ref[...] = _bn_relu(h, g_ref[...], bt_ref[...], gmat_ref[...])


def _head_body(hf_ref, wl1_ref, bl1_ref, wl2_ref, bl2_ref, out_ref):
    hid = jnp.dot(hf_ref[...], wl1_ref[...],
                  preferred_element_type=jnp.float32, precision=_HI)
    hid = jnp.maximum(hid + bl1_ref[...], 0.0)
    out_ref[...] = (jnp.dot(hid, wl2_ref[...],
                            preferred_element_type=jnp.float32, precision=_HI)
                    + bl2_ref[...])


_f32 = jnp.float32


def _pad16(w):
    return jnp.pad(w, ((0, 0), (0, FP - w.shape[1])))


def _tile_v(v):
    return jnp.tile(jnp.pad(v, (0, FP - v.shape[0])), 8).reshape(1, 128)


def kernel(x, edge_index, W1_root, W1_rel, b1, g1, bt1,
           W2_root, W2_rel, b2, g2, bt2, Wl1, bl1, Wl2, bl2):
    ei4 = edge_index.reshape(2, NW, NSTEP, CH)
    zeros_pad = jnp.zeros((NPAD, FP), _f32)

    x3 = x.reshape(RR, 8, 128)

    def _block(w):
        wp = _pad16(w)
        return jnp.stack(
            [jnp.pad(wp, ((0, 0), (16 * a, 112 - 16 * a))) for a in range(8)])

    wbm = _block(W1_rel)
    wbr = _block(W1_root)
    eye8 = jnp.eye(8, dtype=_f32)
    w2relb = jnp.kron(eye8, _pad16(jnp.pad(W2_rel, ((0, FP - 12), (0, 0)))))
    w2rootb = jnp.kron(eye8, _pad16(jnp.pad(W2_root, ((0, FP - 12), (0, 0)))))
    gmat = jnp.tile(jnp.eye(FP, dtype=_f32), (8, 8))

    m1 = pl.pallas_call(
        _proj_body,
        out_shape=jax.ShapeDtypeStruct((PR, 128), _f32),
    )(x3, wbm)
    r1 = pl.pallas_call(
        _proj_body,
        out_shape=jax.ShapeDtypeStruct((PR, 128), _f32),
    )(x3, wbr)

    segsum = _make_segsum_sc()
    pa1, pb1 = segsum(m1.reshape(NPAD, FP), ei4, zeros_pad)

    m2, r2 = pl.pallas_call(
        _mid_body,
        out_shape=[jax.ShapeDtypeStruct((PR, 128), _f32)] * 2,
    )(r1, pa1.reshape(PR, 128), pb1.reshape(PR, 128),
      _tile_v(b1), _tile_v(g1), _tile_v(bt1), gmat, w2relb, w2rootb)

    pa2, pb2 = segsum(m2.reshape(NPAD, FP), ei4, zeros_pad)

    h2 = pl.pallas_call(
        _last_body,
        out_shape=jax.ShapeDtypeStruct((PR, 128), _f32),
    )(r2, pa2.reshape(PR, 128), pb2.reshape(PR, 128),
      _tile_v(b2), _tile_v(g2), _tile_v(bt2), gmat)

    hfp = h2[:RR].reshape(BATCH, (RR // BATCH) * 128)
    wl1p = jnp.pad(Wl1.reshape(RR // BATCH, 8, 12, 128),
                   ((0, 0), (0, 0), (0, FP - 12), (0, 0))).reshape(16000, 128)
    out = pl.pallas_call(
        _head_body,
        out_shape=jax.ShapeDtypeStruct((BATCH, 2 * N_BUS), _f32),
    )(hfp, wl1p, bl1.reshape(1, -1), Wl2, bl2.reshape(1, -1))
    return out

# --- scband reference (transcript-rebuilt; emitter-appended) ---
"""Pipeline reference for scband-gnnpower-flow-60653528154493 (READ-ONLY COPY).

The authoritative reference and input builder live on the scoring server;
editing this copy changes nothing except your own understanding.
"""

import jax, jax.numpy as jnp
import numpy as np

N_BUS = 1000
BATCH = 10
N = N_BUS * BATCH
FEAT_IN = 128
F1 = 12
F2 = 12
HID = 128
E = 320000
EPS = 1e-5


def setup_inputs(seed: int = 0) -> dict:
    key = jax.random.key(seed)
    ks = jax.random.split(key, 20)
    x = jax.random.normal(ks[0], (N, FEAT_IN), dtype=jnp.float32)
    edge_index = jax.random.randint(ks[1], (2, E), 0, N, dtype=jnp.int32)
    s_in = 1.0 / np.sqrt(FEAT_IN)
    s_f1 = 1.0 / np.sqrt(F1)
    s_l1 = 1.0 / np.sqrt(N_BUS * F2)
    s_h = 1.0 / np.sqrt(HID)
    return {
        "x": x,
        "edge_index": edge_index,
        "W1_root": jax.random.normal(ks[2], (FEAT_IN, F1), jnp.float32) * s_in,
        "W1_rel": jax.random.normal(ks[3], (FEAT_IN, F1), jnp.float32) * s_in,
        "b1": jnp.zeros((F1,), jnp.float32),
        "g1": jnp.ones((F1,), jnp.float32),
        "bt1": jnp.zeros((F1,), jnp.float32),
        "W2_root": jax.random.normal(ks[4], (F1, F2), jnp.float32) * s_f1,
        "W2_rel": jax.random.normal(ks[5], (F1, F2), jnp.float32) * s_f1,
        "b2": jnp.zeros((F2,), jnp.float32),
        "g2": jnp.ones((F2,), jnp.float32),
        "bt2": jnp.zeros((F2,), jnp.float32),
        "Wl1": jax.random.normal(ks[6], (N_BUS * F2, HID), jnp.float32) * s_l1,
        "bl1": jnp.zeros((HID,), jnp.float32),
        "Wl2": jax.random.normal(ks[7], (HID, N_BUS * 2), jnp.float32) * s_h,
        "bl2": jnp.zeros((N_BUS * 2,), jnp.float32),
    }


def _graph_conv(x, edge_index, W_root, W_rel, b):
    src = edge_index[0]
    dst = edge_index[1]
    msgs = jnp.take(x, src, axis=0)
    agg = jax.ops.segment_sum(msgs, dst, num_segments=x.shape[0])
    return x @ W_root + agg @ W_rel + b


def _batch_norm(h, g, b):
    mu = jnp.mean(h, axis=0)
    var = jnp.var(h, axis=0)
    return g * (h - mu) / jnp.sqrt(var + EPS) + b


def reference(x, edge_index, W1_root, W1_rel, b1, g1, bt1, W2_root, W2_rel, b2, g2, bt2, Wl1, bl1, Wl2, bl2):
    h = _graph_conv(x, edge_index, W1_root, W1_rel, b1)
    h = _batch_norm(h, g1, bt1)
    h = jax.nn.relu(h)
    h = _graph_conv(h, edge_index, W2_root, W2_rel, b2)
    h = _batch_norm(h, g2, bt2)
    h = jax.nn.relu(h)
    h = h.reshape(BATCH, N_BUS * F2)
    h = jax.nn.relu(h @ Wl1 + bl1)
    out = h @ Wl2 + bl2
    return out

if __name__ == "__main__":
    import jax
    _d = setup_inputs()
    print(jax.jit(kernel)(*tuple(_d.values())))

</pallas_src>

<mosaic_0001>
#map = affine_map<(d0, d1) -> (0, 0)>
#map1 = affine_map<(d0, d1) -> (0, 0, 0, 0)>
module attributes {stable_mosaic.version = 14 : i64} {
  func.func @_segsum_body(%arg0: i32, %arg1: i32, %arg2: memref<10240x16xf32, #tpu.memory_space<hbm>>, %arg3: memref<2x32x125x80xi32, #tpu.memory_space<hbm>>, %arg4: memref<10240x16xf32, #tpu.memory_space<hbm>>, %arg5: memref<10240x16xf32, #tpu.memory_space<hbm>>, %arg6: memref<10240x16xf32, #tpu.memory_space<hbm>>, %arg7: memref<125x80xi32, #tpu.memory_space<vmem>>, %arg8: memref<125x80xi32, #tpu.memory_space<vmem>>, %arg9: memref<80x16xf32, #tpu.memory_space<vmem>>, %arg10: memref<80x16xf32, #tpu.memory_space<vmem>>, %arg11: memref<80x16xf32, #tpu.memory_space<vmem>>, %arg12: memref<80x16xf32, #tpu.memory_space<vmem>>, %arg13: memref<80x16xf32, #tpu.memory_space<vmem>>, %arg14: memref<10240x16xf32, #tpu.memory_space<vmem_shared>>, %arg15: memref<10240x16xf32, #tpu.memory_space<vmem_shared>>, %arg16: memref<!tpu.dma_semaphore, #tpu.memory_space<semaphore_mem>>, %arg17: memref<!tpu.dma_semaphore, #tpu.memory_space<semaphore_mem>>, %arg18: memref<!tpu.dma_semaphore, #tpu.memory_space<semaphore_mem>>, %arg19: memref<!tpu.dma_semaphore, #tpu.memory_space<semaphore_mem>>, %arg20: memref<!tpu.dma_semaphore, #tpu.memory_space<semaphore_mem>>, %arg21: memref<!tpu.dma_semaphore, #tpu.memory_space<semaphore_mem>>, %arg22: memref<!tpu.dma_semaphore, #tpu.memory_space<semaphore_mem>>, %arg23: memref<!tpu.dma_semaphore, #tpu.memory_space<semaphore_mem>>, %arg24: memref<!tpu.dma_semaphore, #tpu.memory_space<semaphore_mem>>, %arg25: memref<!tpu.dma_semaphore, #tpu.memory_space<semaphore_mem>>) attributes {dimension_semantics = [#tpu.dimension_semantics<core_parallel>, #tpu.dimension_semantics<subcore_parallel>], iteration_bounds = array<i64: 2, 16>, scalar_prefetch = 0 : i64, scratch_operands = 19 : i64, tpu.core_type = #tpu.core_type<sc_vector_subcore>, window_params = [{transform_indices = #map}, {transform_indices = #map1}, {transform_indices = #map}, {transform_indices = #map}, {transform_indices = #map}]} {
    %mul3A = arith.constant 16 : i32
    %mul3A_0 = arith.muli %arg0, %mul3A : i32
    %add3A = arith.addi %mul3A_0, %arg1 : i32
    %run_scoped3A = arith.constant 0 : i32
    "tpu.region"() ({
      %run_scoped3A_162 = tpu.sem_alloc : memref<!tpu.dma_semaphore, #tpu.memory_space<semaphore_mem>>
      %dma_start3A_163 = arith.constant 0 : i32
      %dma_start3A_164 = arith.constant 0 : i32
      %dma_start3A_165 = tpu.memref_slice %arg3[%run_scoped3A, %add3A, %dma_start3A_163, %dma_start3A_164] : memref<2x32x125x80xi32, #tpu.memory_space<hbm>> -> memref<1x1x125x80xi32, #tpu.memory_space<hbm>>
      %dma_start3A_166 = tpu.memref_squeeze %dma_start3A_165 : memref<1x1x125x80xi32, #tpu.memory_space<hbm>> -> memref<125x80xi32, #tpu.memory_space<hbm>>
      %dma_start3A_167 = arith.constant 0 : i32
      %dma_start3A_168 = arith.constant 0 : i32
      %dma_start3A_169 = tpu.memref_slice %arg3[%run_scoped3A, %add3A, %dma_start3A_167, %dma_start3A_168] : memref<2x32x125x80xi32, #tpu.memory_space<hbm>> -> memref<1x1x125x80xi32, #tpu.memory_space<hbm>>
      %dma_start3A_170 = tpu.memref_squeeze %dma_start3A_169 : memref<1x1x125x80xi32, #tpu.memory_space<hbm>> -> memref<125x80xi32, #tpu.memory_space<hbm>>
      tpu.enqueue_dma source(%dma_start3A_170 : memref<125x80xi32, #tpu.memory_space<hbm>>) target(%arg7 : memref<125x80xi32, #tpu.memory_space<vmem>>) target_semaphore(%run_scoped3A_162 : memref<!tpu.dma_semaphore, #tpu.memory_space<semaphore_mem>>)
      %dma_wait3A_171 = arith.constant 0 : i32
      %dma_wait3A_172 = arith.constant 0 : i32
      %dma_wait3A_173 = tpu.memref_slice %arg3[%run_scoped3A, %add3A, %dma_wait3A_171, %dma_wait3A_172] : memref<2x32x125x80xi32, #tpu.memory_space<hbm>> -> memref<1x1x125x80xi32, #tpu.memory_space<hbm>>
      %dma_wait3A_174 = tpu.memref_squeeze %dma_wait3A_173 : memref<1x1x125x80xi32, #tpu.memory_space<hbm>> -> memref<125x80xi32, #tpu.memory_space<hbm>>
      %dma_wait3A_175 = arith.constant 0 : i32
      %dma_wait3A_176 = arith.constant 0 : i32
      %dma_wait3A_177 = tpu.memref_slice %arg3[%run_scoped3A, %add3A, %dma_wait3A_175, %dma_wait3A_176] : memref<2x32x125x80xi32, #tpu.memory_space<hbm>> -> memref<1x1x125x80xi32, #tpu.memory_space<hbm>>
      %dma_wait3A_178 = tpu.memref_squeeze %dma_wait3A_177 : memref<1x1x125x80xi32, #tpu.memory_space<hbm>> -> memref<125x80xi32, #tpu.memory_space<hbm>>
      tpu.wait_dma2 semaphore(%run_scoped3A_162 : memref<!tpu.dma_semaphore, #tpu.memory_space<semaphore_mem>>) src(%dma_wait3A_178 : memref<125x80xi32, #tpu.memory_space<hbm>>) dst(%arg7 : memref<125x80xi32, #tpu.memory_space<vmem>>)
      tpu.yield
    }) : () -> ()
    %run_scoped3A_1 = arith.constant 1 : i32
    "tpu.region"() ({
      %run_scoped3A_162 = tpu.sem_alloc : memref<!tpu.dma_semaphore, #tpu.memory_space<semaphore_mem>>
      %dma_start3A_163 = arith.constant 0 : i32
      %dma_start3A_164 = arith.constant 0 : i32
      %dma_start3A_165 = tpu.memref_slice %arg3[%run_scoped3A_1, %add3A, %dma_start3A_163, %dma_start3A_164] : memref<2x32x125x80xi32, #tpu.memory_space<hbm>> -> memref<1x1x125x80xi32, #tpu.memory_space<hbm>>
      %dma_start3A_166 = tpu.memref_squeeze %dma_start3A_165 : memref<1x1x125x80xi32, #tpu.memory_space<hbm>> -> memref<125x80xi32, #tpu.memory_space<hbm>>
      %dma_start3A_167 = arith.constant 0 : i32
      %dma_start3A_168 = arith.constant 0 : i32
      %dma_start3A_169 = tpu.memref_slice %arg3[%run_scoped3A_1, %add3A, %dma_start3A_167, %dma_start3A_168] : memref<2x32x125x80xi32, #tpu.memory_space<hbm>> -> memref<1x1x125x80xi32, #tpu.memory_space<hbm>>
      %dma_start3A_170 = tpu.memref_squeeze %dma_start3A_169 : memref<1x1x125x80xi32, #tpu.memory_space<hbm>> -> memref<125x80xi32, #tpu.memory_space<hbm>>
      tpu.enqueue_dma source(%dma_start3A_170 : memref<125x80xi32, #tpu.memory_space<hbm>>) target(%arg8 : memref<125x80xi32, #tpu.memory_space<vmem>>) target_semaphore(%run_scoped3A_162 : memref<!tpu.dma_semaphore, #tpu.memory_space<semaphore_mem>>)
      %dma_wait3A_171 = arith.constant 0 : i32
      %dma_wait3A_172 = arith.constant 0 : i32
      %dma_wait3A_173 = tpu.memref_slice %arg3[%run_scoped3A_1, %add3A, %dma_wait3A_171, %dma_wait3A_172] : memref<2x32x125x80xi32, #tpu.memory_space<hbm>> -> memref<1x1x125x80xi32, #tpu.memory_space<hbm>>
      %dma_wait3A_174 = tpu.memref_squeeze %dma_wait3A_173 : memref<1x1x125x80xi32, #tpu.memory_space<hbm>> -> memref<125x80xi32, #tpu.memory_space<hbm>>
      %dma_wait3A_175 = arith.constant 0 : i32
      %dma_wait3A_176 = arith.constant 0 : i32
      %dma_wait3A_177 = tpu.memref_slice %arg3[%run_scoped3A_1, %add3A, %dma_wait3A_175, %dma_wait3A_176] : memref<2x32x125x80xi32, #tpu.memory_space<hbm>> -> memref<1x1x125x80xi32, #tpu.memory_space<hbm>>
      %dma_wait3A_178 = tpu.memref_squeeze %dma_wait3A_177 : memref<1x1x125x80xi32, #tpu.memory_space<hbm>> -> memref<125x80xi32, #tpu.memory_space<hbm>>
      tpu.wait_dma2 semaphore(%run_scoped3A_162 : memref<!tpu.dma_semaphore, #tpu.memory_space<semaphore_mem>>) src(%dma_wait3A_178 : memref<125x80xi32, #tpu.memory_space<hbm>>) dst(%arg8 : memref<125x80xi32, #tpu.memory_space<vmem>>)
      tpu.yield
    }) : () -> ()
    %mul3A_2 = arith.constant 640 : i32
    %mul3A_3 = arith.muli %arg1, %mul3A_2 : i32
    %mul3A_4 = arith.constant 640 : i32
    %mul3A_5 = arith.muli %arg1, %mul3A_4 : i32
    "tpu.region"() ({
      %run_scoped3A_162 = tpu.sem_alloc : memref<!tpu.dma_semaphore, #tpu.memory_space<semaphore_mem>>
      %dma_start3A_163 = arith.constant 0 : i32
      %dma_start3A_164 = tpu.memref_slice %arg15[%mul3A_5, %dma_start3A_163] : memref<10240x16xf32, #tpu.memory_space<vmem_shared>> -> memref<640x16xf32, #tpu.memory_space<vmem_shared>>
      %dma_start3A_165 = arith.constant 0 : i32
      %dma_start3A_166 = tpu.memref_slice %arg2[%mul3A_3, %dma_start3A_165] : memref<10240x16xf32, #tpu.memory_space<hbm>> -> memref<640x16xf32, #tpu.memory_space<hbm>>
      tpu.enqueue_dma source(%dma_start3A_166 : memref<640x16xf32, #tpu.memory_space<hbm>>) target(%dma_start3A_164 : memref<640x16xf32, #tpu.memory_space<vmem_shared>>) target_semaphore(%run_scoped3A_162 : memref<!tpu.dma_semaphore, #tpu.memory_space<semaphore_mem>>)
      %dma_wait3A_167 = arith.constant 0 : i32
      %dma_wait3A_168 = tpu.memref_slice %arg15[%mul3A_5, %dma_wait3A_167] : memref<10240x16xf32, #tpu.memory_space<vmem_shared>> -> memref<640x16xf32, #tpu.memory_space<vmem_shared>>
      %dma_wait3A_169 = arith.constant 0 : i32
      %dma_wait3A_170 = tpu.memref_slice %arg2[%mul3A_3, %dma_wait3A_169] : memref<10240x16xf32, #tpu.memory_space<hbm>> -> memref<640x16xf32, #tpu.memory_space<hbm>>
      tpu.wait_dma2 semaphore(%run_scoped3A_162 : memref<!tpu.dma_semaphore, #tpu.memory_space<semaphore_mem>>) src(%dma_wait3A_170 : memref<640x16xf32, #tpu.memory_space<hbm>>) dst(%dma_wait3A_168 : memref<640x16xf32, #tpu.memory_space<vmem_shared>>)
      tpu.yield
    }) : () -> ()
    %mul3A_6 = arith.constant 640 : i32
    %mul3A_7 = arith.muli %arg1, %mul3A_6 : i32
    %mul3A_8 = arith.constant 640 : i32
    %mul3A_9 = arith.muli %arg1, %mul3A_8 : i32
    "tpu.region"() ({
      %run_scoped3A_162 = tpu.sem_alloc : memref<!tpu.dma_semaphore, #tpu.memory_space<semaphore_mem>>
      %dma_start3A_163 = arith.constant 0 : i32
      %dma_start3A_164 = tpu.memref_slice %arg14[%mul3A_9, %dma_start3A_163] : memref<10240x16xf32, #tpu.memory_space<vmem_shared>> -> memref<640x16xf32, #tpu.memory_space<vmem_shared>>
      %dma_start3A_165 = arith.constant 0 : i32
      %dma_start3A_166 = tpu.memref_slice %arg4[%mul3A_7, %dma_start3A_165] : memref<10240x16xf32, #tpu.memory_space<hbm>> -> memref<640x16xf32, #tpu.memory_space<hbm>>
      tpu.enqueue_dma source(%dma_start3A_166 : memref<640x16xf32, #tpu.memory_space<hbm>>) target(%dma_start3A_164 : memref<640x16xf32, #tpu.memory_space<vmem_shared>>) target_semaphore(%run_scoped3A_162 : memref<!tpu.dma_semaphore, #tpu.memory_space<semaphore_mem>>)
      %dma_wait3A_167 = arith.constant 0 : i32
      %dma_wait3A_168 = tpu.memref_slice %arg14[%mul3A_9, %dma_wait3A_167] : memref<10240x16xf32, #tpu.memory_space<vmem_shared>> -> memref<640x16xf32, #tpu.memory_space<vmem_shared>>
      %dma_wait3A_169 = arith.constant 0 : i32
      %dma_wait3A_170 = tpu.memref_slice %arg4[%mul3A_7, %dma_wait3A_169] : memref<10240x16xf32, #tpu.memory_space<hbm>> -> memref<640x16xf32, #tpu.memory_space<hbm>>
      tpu.wait_dma2 semaphore(%run_scoped3A_162 : memref<!tpu.dma_semaphore, #tpu.memory_space<semaphore_mem>>) src(%dma_wait3A_170 : memref<640x16xf32, #tpu.memory_space<hbm>>) dst(%dma_wait3A_168 : memref<640x16xf32, #tpu.memory_space<vmem_shared>>)
      tpu.yield
    }) : () -> ()
    %barrier3A = arith.constant 0 : index
    tpu.barrier barrier_id(%barrier3A)
    %dma_start3A = arith.constant 0 : i32
    %dma_start3A_10 = arith.constant 0 : i32
    %dma_start3A_11 = tpu.memref_slice %arg7[%dma_start3A, %dma_start3A_10] : memref<125x80xi32, #tpu.memory_space<vmem>> -> memref<1x80xi32, #tpu.memory_space<vmem>>
    %dma_start3A_12 = tpu.memref_squeeze %dma_start3A_11 : memref<1x80xi32, #tpu.memory_space<vmem>> -> memref<80xi32, #tpu.memory_space<vmem>>
    %dma_start3A_13 = arith.constant 0 : i32
    %dma_start3A_14 = arith.constant 0 : i32
    %dma_start3A_15 = tpu.memref_slice %arg15[%dma_start3A_13, %dma_start3A_14] : memref<10240x16xf32, #tpu.memory_space<vmem_shared>> -> memref<10240x16xf32, #tpu.memory_space<vmem_shared>>
    tpu.enqueue_indirect_dma source(%dma_start3A_15 : memref<10240x16xf32, #tpu.memory_space<vmem_shared>>) target(%arg9 : memref<80x16xf32, #tpu.memory_space<vmem>>) offsets(%dma_start3A_12 : memref<80xi32, #tpu.memory_space<vmem>>) semaphore(%arg16 : memref<!tpu.dma_semaphore, #tpu.memory_space<semaphore_mem>>)
    %dma_start3A_16 = arith.constant 1 : i32
    %dma_start3A_17 = arith.constant 0 : i32
    %dma_start3A_18 = tpu.memref_slice %arg7[%dma_start3A_16, %dma_start3A_17] : memref<125x80xi32, #tpu.memory_space<vmem>> -> memref<1x80xi32, #tpu.memory_space<vmem>>
    %dma_start3A_19 = tpu.memref_squeeze %dma_start3A_18 : memref<1x80xi32, #tpu.memory_space<vmem>> -> memref<80xi32, #tpu.memory_space<vmem>>
    %dma_start3A_20 = arith.constant 0 : i32
    %dma_start3A_21 = arith.constant 0 : i32
    %dma_start3A_22 = tpu.memref_slice %arg15[%dma_start3A_20, %dma_start3A_21] : memref<10240x16xf32, #tpu.memory_space<vmem_shared>> -> memref<10240x16xf32, #tpu.memory_space<vmem_shared>>
    tpu.enqueue_indirect_dma source(%dma_start3A_22 : memref<10240x16xf32, #tpu.memory_space<vmem_shared>>) target(%arg10 : memref<80x16xf32, #tpu.memory_space<vmem>>) offsets(%dma_start3A_19 : memref<80xi32, #tpu.memory_space<vmem>>) semaphore(%arg17 : memref<!tpu.dma_semaphore, #tpu.memory_space<semaphore_mem>>)
    %dma_start3A_23 = arith.constant 2 : i32
    %dma_start3A_24 = arith.constant 0 : i32
    %dma_start3A_25 = tpu.memref_slice %arg7[%dma_start3A_23, %dma_start3A_24] : memref<125x80xi32, #tpu.memory_space<vmem>> -> memref<1x80xi32, #tpu.memory_space<vmem>>
    %dma_start3A_26 = tpu.memref_squeeze %dma_start3A_25 : memref<1x80xi32, #tpu.memory_space<vmem>> -> memref<80xi32, #tpu.memory_space<vmem>>
    %dma_start3A_27 = arith.constant 0 : i32
    %dma_start3A_28 = arith.constant 0 : i32
    %dma_start3A_29 = tpu.memref_slice %arg15[%dma_start3A_27, %dma_start3A_28] : memref<10240x16xf32, #tpu.memory_space<vmem_shared>> -> memref<10240x16xf32, #tpu.memory_space<vmem_shared>>
    tpu.enqueue_indirect_dma source(%dma_start3A_29 : memref<10240x16xf32, #tpu.memory_space<vmem_shared>>) target(%arg11 : memref<80x16xf32, #tpu.memory_space<vmem>>) offsets(%dma_start3A_26 : memref<80xi32, #tpu.memory_space<vmem>>) semaphore(%arg18 : memref<!tpu.dma_semaphore, #tpu.memory_space<semaphore_mem>>)
    %dma_start3A_30 = arith.constant 3 : i32
    %dma_start3A_31 = arith.constant 0 : i32
    %dma_start3A_32 = tpu.memref_slice %arg7[%dma_start3A_30, %dma_start3A_31] : memref<125x80xi32, #tpu.memory_space<vmem>> -> memref<1x80xi32, #tpu.memory_space<vmem>>
    %dma_start3A_33 = tpu.memref_squeeze %dma_start3A_32 : memref<1x80xi32, #tpu.memory_space<vmem>> -> memref<80xi32, #tpu.memory_space<vmem>>
    %dma_start3A_34 = arith.constant 0 : i32
    %dma_start3A_35 = arith.constant 0 : i32
    %dma_start3A_36 = tpu.memref_slice %arg15[%dma_start3A_34, %dma_start3A_35] : memref<10240x16xf32, #tpu.memory_space<vmem_shared>> -> memref<10240x16xf32, #tpu.memory_space<vmem_shared>>
    tpu.enqueue_indirect_dma source(%dma_start3A_36 : memref<10240x16xf32, #tpu.memory_space<vmem_shared>>) target(%arg12 : memref<80x16xf32, #tpu.memory_space<vmem>>) offsets(%dma_start3A_33 : memref<80xi32, #tpu.memory_space<vmem>>) semaphore(%arg19 : memref<!tpu.dma_semaphore, #tpu.memory_space<semaphore_mem>>)
    %dma_start3A_37 = arith.constant 4 : i32
    %dma_start3A_38 = arith.constant 0 : i32
    %dma_start3A_39 = tpu.memref_slice %arg7[%dma_start3A_37, %dma_start3A_38] : memref<125x80xi32, #tpu.memory_space<vmem>> -> memref<1x80xi32, #tpu.memory_space<vmem>>
    %dma_start3A_40 = tpu.memref_squeeze %dma_start3A_39 : memref<1x80xi32, #tpu.memory_space<vmem>> -> memref<80xi32, #tpu.memory_space<vmem>>
    %dma_start3A_41 = arith.constant 0 : i32
    %dma_start3A_42 = arith.constant 0 : i32
    %dma_start3A_43 = tpu.memref_slice %arg15[%dma_start3A_41, %dma_start3A_42] : memref<10240x16xf32, #tpu.memory_space<vmem_shared>> -> memref<10240x16xf32, #tpu.memory_space<vmem_shared>>
    tpu.enqueue_indirect_dma source(%dma_start3A_43 : memref<10240x16xf32, #tpu.memory_space<vmem_shared>>) target(%arg13 : memref<80x16xf32, #tpu.memory_space<vmem>>) offsets(%dma_start3A_40 : memref<80xi32, #tpu.memory_space<vmem>>) semaphore(%arg20 : memref<!tpu.dma_semaphore, #tpu.memory_space<semaphore_mem>>)
    %scan3A = arith.constant 0 : i32
    %scan3A_44 = arith.constant 0 : i32
    %scan3A_45 = arith.constant 24 : i32
    %scan3A_46 = arith.addi %scan3A_44, %scan3A_45 : i32
    %scan3A_47 = arith.constant 1 : i32
    %scan3A_48 = scf.for %scan3A_162 = %scan3A_44 to %scan3A_46 step %scan3A_47 iter_args(%scan3A_163 = %scan3A) -> (i32)  : i32 {
      %mul3A_164 = arith.constant 5 : i32
      %mul3A_165 = arith.muli %scan3A_162, %mul3A_164 : i32
      %add3A_166 = arith.constant 0 : i32
      %add3A_167 = arith.addi %mul3A_165, %add3A_166 : i32
      %dma_wait3A_168 = arith.constant 0 : i32
      %dma_wait3A_169 = tpu.memref_slice %arg7[%add3A_167, %dma_wait3A_168] : memref<125x80xi32, #tpu.memory_space<vmem>> -> memref<1x80xi32, #tpu.memory_space<vmem>>
      %dma_wait3A_170 = tpu.memref_squeeze %dma_wait3A_169 : memref<1x80xi32, #tpu.memory_space<vmem>> -> memref<80xi32, #tpu.memory_space<vmem>>
      %dma_wait3A_171 = arith.constant 0 : i32
      %dma_wait3A_172 = arith.constant 0 : i32
      %dma_wait3A_173 = tpu.memref_slice %arg15[%dma_wait3A_171, %dma_wait3A_172] : memref<10240x16xf32, #tpu.memory_space<vmem_shared>> -> memref<10240x16xf32, #tpu.memory_space<vmem_shared>>
      tpu.wait_indirect_dma semaphore(%arg16 : memref<!tpu.dma_semaphore, #tpu.memory_space<semaphore_mem>>) src(%dma_wait3A_173 : memref<10240x16xf32, #tpu.memory_space<vmem_shared>>) dst(%arg9 : memref<80x16xf32, #tpu.memory_space<vmem>>)
      %dma_start3A_174 = arith.constant 0 : i32
      %dma_start3A_175 = tpu.memref_slice %arg8[%add3A_167, %dma_start3A_174] : memref<125x80xi32, #tpu.memory_space<vmem>> -> memref<1x80xi32, #tpu.memory_space<vmem>>
      %dma_start3A_176 = tpu.memref_squeeze %dma_start3A_175 : memref<1x80xi32, #tpu.memory_space<vmem>> -> memref<80xi32, #tpu.memory_space<vmem>>
      %dma_start3A_177 = arith.constant 0 : i32
      %dma_start3A_178 = arith.constant 0 : i32
      %dma_start3A_179 = tpu.memref_slice %arg14[%dma_start3A_177, %dma_start3A_178] : memref<10240x16xf32, #tpu.memory_space<vmem_shared>> -> memref<10240x16xf32, #tpu.memory_space<vmem_shared>>
      tpu.enqueue_indirect_dma source(%arg9 : memref<80x16xf32, #tpu.memory_space<vmem>>) target(%dma_start3A_179 : memref<10240x16xf32, #tpu.memory_space<vmem_shared>>) offsets(%dma_start3A_176 : memref<80xi32, #tpu.memory_space<vmem>>) semaphore(%arg21 : memref<!tpu.dma_semaphore, #tpu.memory_space<semaphore_mem>>) {add = true}
      %add3A_180 = arith.constant 1 : i32
      %add3A_181 = arith.addi %mul3A_165, %add3A_180 : i32
      %dma_wait3A_182 = arith.constant 0 : i32
      %dma_wait3A_183 = tpu.memref_slice %arg7[%add3A_181, %dma_wait3A_182] : memref<125x80xi32, #tpu.memory_space<vmem>> -> memref<1x80xi32, #tpu.memory_space<vmem>>
      %dma_wait3A_184 = tpu.memref_squeeze %dma_wait3A_183 : memref<1x80xi32, #tpu.memory_space<vmem>> -> memref<80xi32, #tpu.memory_space<vmem>>
      %dma_wait3A_185 = arith.constant 0 : i32
      %dma_wait3A_186 = arith.constant 0 : i32
      %dma_wait3A_187 = tpu.memref_slice %arg15[%dma_wait3A_185, %dma_wait3A_186] : memref<10240x16xf32, #tpu.memory_space<vmem_shared>> -> memref<10240x16xf32, #tpu.memory_space<vmem_shared>>
      tpu.wait_indirect_dma semaphore(%arg17 : memref<!tpu.dma_semaphore, #tpu.memory_space<semaphore_mem>>) src(%dma_wait3A_187 : memref<10240x16xf32, #tpu.memory_space<vmem_shared>>) dst(%arg10 : memref<80x16xf32, #tpu.memory_space<vmem>>)
      %dma_start3A_188 = arith.constant 0 : i32
      %dma_start3A_189 = tpu.memref_slice %arg8[%add3A_181, %dma_start3A_188] : memref<125x80xi32, #tpu.memory_space<vmem>> -> memref<1x80xi32, #tpu.memory_space<vmem>>
      %dma_start3A_190 = tpu.memref_squeeze %dma_start3A_189 : memref<1x80xi32, #tpu.memory_space<vmem>> -> memref<80xi32, #tpu.memory_space<vmem>>
      %dma_start3A_191 = arith.constant 0 : i32
      %dma_start3A_192 = arith.constant 0 : i32
      %dma_start3A_193 = tpu.memref_slice %arg14[%dma_start3A_191, %dma_start3A_192] : memref<10240x16xf32, #tpu.memory_space<vmem_shared>> -> memref<10240x16xf32, #tpu.memory_space<vmem_shared>>
      tpu.enqueue_indirect_dma source(%arg10 : memref<80x16xf32, #tpu.memory_space<vmem>>) target(%dma_start3A_193 : memref<10240x16xf32, #tpu.memory_space<vmem_shared>>) offsets(%dma_start3A_190 : memref<80xi32, #tpu.memory_space<vmem>>) semaphore(%arg22 : memref<!tpu.dma_semaphore, #tpu.memory_space<semaphore_mem>>) {add = true}
      %add3A_194 = arith.constant 2 : i32
      %add3A_195 = arith.addi %mul3A_165, %add3A_194 : i32
      %dma_wait3A_196 = arith.constant 0 : i32
      %dma_wait3A_197 = tpu.memref_slice %arg7[%add3A_195, %dma_wait3A_196] : memref<125x80xi32, #tpu.memory_space<vmem>> -> memref<1x80xi32, #tpu.memory_space<vmem>>
      %dma_wait3A_198 = tpu.memref_squeeze %dma_wait3A_197 : memref<1x80xi32, #tpu.memory_space<vmem>> -> memref<80xi32, #tpu.memory_space<vmem>>
      %dma_wait3A_199 = arith.constant 0 : i32
      %dma_wait3A_200 = arith.constant 0 : i32
      %dma_wait3A_201 = tpu.memref_slice %arg15[%dma_wait3A_199, %dma_wait3A_200] : memref<10240x16xf32, #tpu.memory_space<vmem_shared>> -> memref<10240x16xf32, #tpu.memory_space<vmem_shared>>
      tpu.wait_indirect_dma semaphore(%arg18 : memref<!tpu.dma_semaphore, #tpu.memory_space<semaphore_mem>>) src(%dma_wait3A_201 : memref<10240x16xf32, #tpu.memory_space<vmem_shared>>) dst(%arg11 : memref<80x16xf32, #tpu.memory_space<vmem>>)
      %dma_start3A_202 = arith.constant 0 : i32
      %dma_start3A_203 = tpu.memref_slice %arg8[%add3A_195, %dma_start3A_202] : memref<125x80xi32, #tpu.memory_space<vmem>> -> memref<1x80xi32, #tpu.memory_space<vmem>>
      %dma_start3A_204 = tpu.memref_squeeze %dma_start3A_203 : memref<1x80xi32, #tpu.memory_space<vmem>> -> memref<80xi32, #tpu.memory_space<vmem>>
      %dma_start3A_205 = arith.constant 0 : i32
      %dma_start3A_206 = arith.constant 0 : i32
      %dma_start3A_207 = tpu.memref_slice %arg14[%dma_start3A_205, %dma_start3A_206] : memref<10240x16xf32, #tpu.memory_space<vmem_shared>> -> memref<10240x16xf32, #tpu.memory_space<vmem_shared>>
      tpu.enqueue_indirect_dma source(%arg11 : memref<80x16xf32, #tpu.memory_space<vmem>>) target(%dma_start3A_207 : memref<10240x16xf32, #tpu.memory_space<vmem_shared>>) offsets(%dma_start3A_204 : memref<80xi32, #tpu.memory_space<vmem>>) semaphore(%arg23 : memref<!tpu.dma_semaphore, #tpu.memory_space<semaphore_mem>>) {add = true}
      %add3A_208 = arith.constant 3 : i32
      %add3A_209 = arith.addi %mul3A_165, %add3A_208 : i32
      %dma_wait3A_210 = arith.constant 0 : i32
      %dma_wait3A_211 = tpu.memref_slice %arg7[%add3A_209, %dma_wait3A_210] : memref<125x80xi32, #tpu.memory_space<vmem>> -> memref<1x80xi32, #tpu.memory_space<vmem>>
      %dma_wait3A_212 = tpu.memref_squeeze %dma_wait3A_211 : memref<1x80xi32, #tpu.memory_space<vmem>> -> memref<80xi32, #tpu.memory_space<vmem>>
      %dma_wait3A_213 = arith.constant 0 : i32
      %dma_wait3A_214 = arith.constant 0 : i32
      %dma_wait3A_215 = tpu.memref_slice %arg15[%dma_wait3A_213, %dma_wait3A_214] : memref<10240x16xf32, #tpu.memory_space<vmem_shared>> -> memref<10240x16xf32, #tpu.memory_space<vmem_shared>>
      tpu.wait_indirect_dma semaphore(%arg19 : memref<!tpu.dma_semaphore, #tpu.memory_space<semaphore_mem>>) src(%dma_wait3A_215 : memref<10240x16xf32, #tpu.memory_space<vmem_shared>>) dst(%arg12 : memref<80x16xf32, #tpu.memory_space<vmem>>)
      %dma_start3A_216 = arith.constant 0 : i32
      %dma_start3A_217 = tpu.memref_slice %arg8[%add3A_209, %dma_start3A_216] : memref<125x80xi32, #tpu.memory_space<vmem>> -> memref<1x80xi32, #tpu.memory_space<vmem>>
      %dma_start3A_218 = tpu.memref_squeeze %dma_start3A_217 : memref<1x80xi32, #tpu.memory_space<vmem>> -> memref<80xi32, #tpu.memory_space<vmem>>
      %dma_start3A_219 = arith.constant 0 : i32
      %dma_start3A_220 = arith.constant 0 : i32
      %dma_start3A_221 = tpu.memref_slice %arg14[%dma_start3A_219, %dma_start3A_220] : memref<10240x16xf32, #tpu.memory_space<vmem_shared>> -> memref<10240x16xf32, #tpu.memory_space<vmem_shared>>
      tpu.enqueue_indirect_dma source(%arg12 : memref<80x16xf32, #tpu.memory_space<vmem>>) target(%dma_start3A_221 : memref<10240x16xf32, #tpu.memory_space<vmem_shared>>) offsets(%dma_start3A_218 : memref<80xi32, #tpu.memory_space<vmem>>) semaphore(%arg24 : memref<!tpu.dma_semaphore, #tpu.memory_space<semaphore_mem>>) {add = true}
      %add3A_222 = arith.constant 4 : i32
      %add3A_223 = arith.addi %mul3A_165, %add3A_222 : i32
      %dma_wait3A_224 = arith.constant 0 : i32
      %dma_wait3A_225 = tpu.memref_slice %arg7[%add3A_223, %dma_wait3A_224] : memref<125x80xi32, #tpu.memory_space<vmem>> -> memref<1x80xi32, #tpu.memory_space<vmem>>
      %dma_wait3A_226 = tpu.memref_squeeze %dma_wait3A_225 : memref<1x80xi32, #tpu.memory_space<vmem>> -> memref<80xi32, #tpu.memory_space<vmem>>
      %dma_wait3A_227 = arith.constant 0 : i32
      %dma_wait3A_228 = arith.constant 0 : i32
      %dma_wait3A_229 = tpu.memref_slice %arg15[%dma_wait3A_227, %dma_wait3A_228] : memref<10240x16xf32, #tpu.memory_space<vmem_shared>> -> memref<10240x16xf32, #tpu.memory_space<vmem_shared>>
      tpu.wait_indirect_dma semaphore(%arg20 : memref<!tpu.dma_semaphore, #tpu.memory_space<semaphore_mem>>) src(%dma_wait3A_229 : memref<10240x16xf32, #tpu.memory_space<vmem_shared>>) dst(%arg13 : memref<80x16xf32, #tpu.memory_space<vmem>>)
      %dma_start3A_230 = arith.constant 0 : i32
      %dma_start3A_231 = tpu.memref_slice %arg8[%add3A_223, %dma_start3A_230] : memref<125x80xi32, #tpu.memory_space<vmem>> -> memref<1x80xi32, #tpu.memory_space<vmem>>
      %dma_start3A_232 = tpu.memref_squeeze %dma_start3A_231 : memref<1x80xi32, #tpu.memory_space<vmem>> -> memref<80xi32, #tpu.memory_space<vmem>>
      %dma_start3A_233 = arith.constant 0 : i32
      %dma_start3A_234 = arith.constant 0 : i32
      %dma_start3A_235 = tpu.memref_slice %arg14[%dma_start3A_233, %dma_start3A_234] : memref<10240x16xf32, #tpu.memory_space<vmem_shared>> -> memref<10240x16xf32, #tpu.memory_space<vmem_shared>>
      tpu.enqueue_indirect_dma source(%arg13 : memref<80x16xf32, #tpu.memory_space<vmem>>) target(%dma_start3A_235 : memref<10240x16xf32, #tpu.memory_space<vmem_shared>>) offsets(%dma_start3A_232 : memref<80xi32, #tpu.memory_space<vmem>>) semaphore(%arg25 : memref<!tpu.dma_semaphore, #tpu.memory_space<semaphore_mem>>) {add = true}
      %dma_wait3A_236 = arith.constant 0 : i32
      %dma_wait3A_237 = tpu.memref_slice %arg8[%add3A_167, %dma_wait3A_236] : memref<125x80xi32, #tpu.memory_space<vmem>> -> memref<1x80xi32, #tpu.memory_space<vmem>>
      %dma_wait3A_238 = tpu.memref_squeeze %dma_wait3A_237 : memref<1x80xi32, #tpu.memory_space<vmem>> -> memref<80xi32, #tpu.memory_space<vmem>>
      %dma_wait3A_239 = arith.constant 0 : i32
      %dma_wait3A_240 = arith.constant 0 : i32
      %dma_wait3A_241 = tpu.memref_slice %arg14[%dma_wait3A_239, %dma_wait3A_240] : memref<10240x16xf32, #tpu.memory_space<vmem_shared>> -> memref<10240x16xf32, #tpu.memory_space<vmem_shared>>
      tpu.wait_indirect_dma semaphore(%arg21 : memref<!tpu.dma_semaphore, #tpu.memory_space<semaphore_mem>>) src(%arg9 : memref<80x16xf32, #tpu.memory_space<vmem>>) dst(%dma_wait3A_241 : memref<10240x16xf32, #tpu.memory_space<vmem_shared>>)
      %add3A_242 = arith.constant 5 : i32
      %add3A_243 = arith.addi %mul3A_165, %add3A_242 : i32
      %add3A_244 = arith.constant 0 : i32
      %add3A_245 = arith.addi %add3A_243, %add3A_244 : i32
      %dma_start3A_246 = arith.constant 0 : i32
      %dma_start3A_247 = tpu.memref_slice %arg7[%add3A_245, %dma_start3A_246] : memref<125x80xi32, #tpu.memory_space<vmem>> -> memref<1x80xi32, #tpu.memory_space<vmem>>
      %dma_start3A_248 = tpu.memref_squeeze %dma_start3A_247 : memref<1x80xi32, #tpu.memory_space<vmem>> -> memref<80xi32, #tpu.memory_space<vmem>>
      %dma_start3A_249 = arith.constant 0 : i32
      %dma_start3A_250 = arith.constant 0 : i32
      %dma_start3A_251 = tpu.memref_slice %arg15[%dma_start3A_249, %dma_start3A_250] : memref<10240x16xf32, #tpu.memory_space<vmem_shared>> -> memref<10240x16xf32, #tpu.memory_space<vmem_shared>>
      tpu.enqueue_indirect_dma source(%dma_start3A_251 : memref<10240x16xf32, #tpu.memory_space<vmem_shared>>) target(%arg9 : memref<80x16xf32, #tpu.memory_space<vmem>>) offsets(%dma_start3A_248 : memref<80xi32, #tpu.memory_space<vmem>>) semaphore(%arg16 : memref<!tpu.dma_semaphore, #tpu.memory_space<semaphore_mem>>)
      %dma_wait3A_252 = arith.constant 0 : i32
      %dma_wait3A_253 = tpu.memref_slice %arg8[%add3A_181, %dma_wait3A_252] : memref<125x80xi32, #tpu.memory_space<vmem>> -> memref<1x80xi32, #tpu.memory_space<vmem>>
      %dma_wait3A_254 = tpu.memref_squeeze %dma_wait3A_253 : memref<1x80xi32, #tpu.memory_space<vmem>> -> memref<80xi32, #tpu.memory_space<vmem>>
      %dma_wait3A_255 = arith.constant 0 : i32
      %dma_wait3A_256 = arith.constant 0 : i32
      %dma_wait3A_257 = tpu.memref_slice %arg14[%dma_wait3A_255, %dma_wait3A_256] : memref<10240x16xf32, #tpu.memory_space<vmem_shared>> -> memref<10240x16xf32, #tpu.memory_space<vmem_shared>>
      tpu.wait_indirect_dma semaphore(%arg22 : memref<!tpu.dma_semaphore, #tpu.memory_space<semaphore_mem>>) src(%arg10 : memref<80x16xf32, #tpu.memory_space<vmem>>) dst(%dma_wait3A_257 : memref<10240x16xf32, #tpu.memory_space<vmem_shared>>)
      %add3A_258 = arith.constant 5 : i32
      %add3A_259 = arith.addi %mul3A_165, %add3A_258 : i32
      %add3A_260 = arith.constant 1 : i32
      %add3A_261 = arith.addi %add3A_259, %add3A_260 : i32
      %dma_start3A_262 = arith.constant 0 : i32
      %dma_start3A_263 = tpu.memref_slice %arg7[%add3A_261, %dma_start3A_262] : memref<125x80xi32, #tpu.memory_space<vmem>> -> memref<1x80xi32, #tpu.memory_space<vmem>>
      %dma_start3A_264 = tpu.memref_squeeze %dma_start3A_263 : memref<1x80xi32, #tpu.memory_space<vmem>> -> memref<80xi32, #tpu.memory_space<vmem>>
      %dma_start3A_265 = arith.constant 0 : i32
      %dma_start3A_266 = arith.constant 0 : i32
      %dma_start3A_267 = tpu.memref_slice %arg15[%dma_start3A_265, %dma_start3A_266] : memref<10240x16xf32, #tpu.memory_space<vmem_shared>> -> memref<10240x16xf32, #tpu.memory_space<vmem_shared>>
      tpu.enqueue_indirect_dma source(%dma_start3A_267 : memref<10240x16xf32, #tpu.memory_space<vmem_shared>>) target(%arg10 : memref<80x16xf32, #tpu.memory_space<vmem>>) offsets(%dma_start3A_264 : memref<80xi32, #tpu.memory_space<vmem>>) semaphore(%arg17 : memref<!tpu.dma_semaphore, #tpu.memory_space<semaphore_mem>>)
      %dma_wait3A_268 = arith.constant 0 : i32
      %dma_wait3A_269 = tpu.memref_slice %arg8[%add3A_195, %dma_wait3A_268] : memref<125x80xi32, #tpu.memory_space<vmem>> -> memref<1x80xi32, #tpu.memory_space<vmem>>
      %dma_wait3A_270 = tpu.memref_squeeze %dma_wait3A_269 : memref<1x80xi32, #tpu.memory_space<vmem>> -> memref<80xi32, #tpu.memory_space<vmem>>
      %dma_wait3A_271 = arith.constant 0 : i32
      %dma_wait3A_272 = arith.constant 0 : i32
      %dma_wait3A_273 = tpu.memref_slice %arg14[%dma_wait3A_271, %dma_wait3A_272] : memref<10240x16xf32, #tpu.memory_space<vmem_shared>> -> memref<10240x16xf32, #tpu.memory_space<vmem_shared>>
      tpu.wait_indirect_dma semaphore(%arg23 : memref<!tpu.dma_semaphore, #tpu.memory_space<semaphore_mem>>) src(%arg11 : memref<80x16xf32, #tpu.memory_space<vmem>>) dst(%dma_wait3A_273 : memref<10240x16xf32, #tpu.memory_space<vmem_shared>>)
      %add3A_274 = arith.constant 5 : i32
      %add3A_275 = arith.addi %mul3A_165, %add3A_274 : i32
      %add3A_276 = arith.constant 2 : i32
      %add3A_277 = arith.addi %add3A_275, %add3A_276 : i32
      %dma_start3A_278 = arith.constant 0 : i32
      %dma_start3A_279 = tpu.memref_slice %arg7[%add3A_277, %dma_start3A_278] : memref<125x80xi32, #tpu.memory_space<vmem>> -> memref<1x80xi32, #tpu.memory_space<vmem>>
      %dma_start3A_280 = tpu.memref_squeeze %dma_start3A_279 : memref<1x80xi32, #tpu.memory_space<vmem>> -> memref<80xi32, #tpu.memory_space<vmem>>
      %dma_start3A_281 = arith.constant 0 : i32
      %dma_start3A_282 = arith.constant 0 : i32
      %dma_start3A_283 = tpu.memref_slice %arg15[%dma_start3A_281, %dma_start3A_282] : memref<10240x16xf32, #tpu.memory_space<vmem_shared>> -> memref<10240x16xf32, #tpu.memory_space<vmem_shared>>
      tpu.enqueue_indirect_dma source(%dma_start3A_283 : memref<10240x16xf32, #tpu.memory_space<vmem_shared>>) target(%arg11 : memref<80x16xf32, #tpu.memory_space<vmem>>) offsets(%dma_start3A_280 : memref<80xi32, #tpu.memory_space<vmem>>) semaphore(%arg18 : memref<!tpu.dma_semaphore, #tpu.memory_space<semaphore_mem>>)
      %dma_wait3A_284 = arith.constant 0 : i32
      %dma_wait3A_285 = tpu.memref_slice %arg8[%add3A_209, %dma_wait3A_284] : memref<125x80xi32, #tpu.memory_space<vmem>> -> memref<1x80xi32, #tpu.memory_space<vmem>>
      %dma_wait3A_286 = tpu.memref_squeeze %dma_wait3A_285 : memref<1x80xi32, #tpu.memory_space<vmem>> -> memref<80xi32, #tpu.memory_space<vmem>>
      %dma_wait3A_287 = arith.constant 0 : i32
      %dma_wait3A_288 = arith.constant 0 : i32
      %dma_wait3A_289 = tpu.memref_slice %arg14[%dma_wait3A_287, %dma_wait3A_288] : memref<10240x16xf32, #tpu.memory_space<vmem_shared>> -> memref<10240x16xf32, #tpu.memory_space<vmem_shared>>
      tpu.wait_indirect_dma semaphore(%arg24 : memref<!tpu.dma_semaphore, #tpu.memory_space<semaphore_mem>>) src(%arg12 : memref<80x16xf32, #tpu.memory_space<vmem>>) dst(%dma_wait3A_289 : memref<10240x16xf32, #tpu.memory_space<vmem_shared>>)
      %add3A_290 = arith.constant 5 : i32
      %add3A_291 = arith.addi %mul3A_165, %add3A_290 : i32
      %add3A_292 = arith.constant 3 : i32
      %add3A_293 = arith.addi %add3A_291, %add3A_292 : i32
      %dma_start3A_294 = arith.constant 0 : i32
      %dma_start3A_295 = tpu.memref_slice %arg7[%add3A_293, %dma_start3A_294] : memref<125x80xi32, #tpu.memory_space<vmem>> -> memref<1x80xi32, #tpu.memory_space<vmem>>
      %dma_start3A_296 = tpu.memref_squeeze %dma_start3A_295 : memref<1x80xi32, #tpu.memory_space<vmem>> -> memref<80xi32, #tpu.memory_space<vmem>>
      %dma_start3A_297 = arith.constant 0 : i32
      %dma_start3A_298 = arith.constant 0 : i32
      %dma_start3A_299 = tpu.memref_slice %arg15[%dma_start3A_297, %dma_start3A_298] : memref<10240x16xf32, #tpu.memory_space<vmem_shared>> -> memref<10240x16xf32, #tpu.memory_space<vmem_shared>>
      tpu.enqueue_indirect_dma source(%dma_start3A_299 : memref<10240x16xf32, #tpu.memory_space<vmem_shared>>) target(%arg12 : memref<80x16xf32, #tpu.memory_space<vmem>>) offsets(%dma_start3A_296 : memref<80xi32, #tpu.memory_space<vmem>>) semaphore(%arg19 : memref<!tpu.dma_semaphore, #tpu.memory_space<semaphore_mem>>)
      %dma_wait3A_300 = arith.constant 0 : i32
      %dma_wait3A_301 = tpu.memref_slice %arg8[%add3A_223, %dma_wait3A_300] : memref<125x80xi32, #tpu.memory_space<vmem>> -> memref<1x80xi32, #tpu.memory_space<vmem>>
      %dma_wait3A_302 = tpu.memref_squeeze %dma_wait3A_301 : memref<1x80xi32, #tpu.memory_space<vmem>> -> memref<80xi32, #tpu.memory_space<vmem>>
      %dma_wait3A_303 = arith.constant 0 : i32
      %dma_wait3A_304 = arith.constant 0 : i32
      %dma_wait3A_305 = tpu.memref_slice %arg14[%dma_wait3A_303, %dma_wait3A_304] : memref<10240x16xf32, #tpu.memory_space<vmem_shared>> -> memref<10240x16xf32, #tpu.memory_space<vmem_shared>>
      tpu.wait_indirect_dma semaphore(%arg25 : memref<!tpu.dma_semaphore, #tpu.memory_space<semaphore_mem>>) src(%arg13 : memref<80x16xf32, #tpu.memory_space<vmem>>) dst(%dma_wait3A_305 : memref<10240x16xf32, #tpu.memory_space<vmem_shared>>)
      %add3A_306 = arith.constant 5 : i32
      %add3A_307 = arith.addi %mul3A_165, %add3A_306 : i32
      %add3A_308 = arith.constant 4 : i32
      %add3A_309 = arith.addi %add3A_307, %add3A_308 : i32
      %dma_start3A_310 = arith.constant 0 : i32
      %dma_start3A_311 = tpu.memref_slice %arg7[%add3A_309, %dma_start3A_310] : memref<125x80xi32, #tpu.memory_space<vmem>> -> memref<1x80xi32, #tpu.memory_space<vmem>>
      %dma_start3A_312 = tpu.memref_squeeze %dma_start3A_311 : memref<1x80xi32, #tpu.memory_space<vmem>> -> memref<80xi32, #tpu.memory_space<vmem>>
      %dma_start3A_313 = arith.constant 0 : i32
      %dma_start3A_314 = arith.constant 0 : i32
      %dma_start3A_315 = tpu.memref_slice %arg15[%dma_start3A_313, %dma_start3A_314] : memref<10240x16xf32, #tpu.memory_space<vmem_shared>> -> memref<10240x16xf32, #tpu.memory_space<vmem_shared>>
      tpu.enqueue_indirect_dma source(%dma_start3A_315 : memref<10240x16xf32, #tpu.memory_space<vmem_shared>>) target(%arg13 : memref<80x16xf32, #tpu.memory_space<vmem>>) offsets(%dma_start3A_312 : memref<80xi32, #tpu.memory_space<vmem>>) semaphore(%arg20 : memref<!tpu.dma_semaphore, #tpu.memory_space<semaphore_mem>>)
      %scan3A_316 = arith.constant 0 : i32
      scf.yield %scan3A_316 : i32
    }
    %scan3A_49 = arith.constant 24 : i32
    %dma_wait3A = arith.constant 120 : i32
    %dma_wait3A_50 = arith.constant 0 : i32
    %dma_wait3A_51 = tpu.memref_slice %arg7[%dma_wait3A, %dma_wait3A_50] : memref<125x80xi32, #tpu.memory_space<vmem>> -> memref<1x80xi32, #tpu.memory_space<vmem>>
    %dma_wait3A_52 = tpu.memref_squeeze %dma_wait3A_51 : memref<1x80xi32, #tpu.memory_space<vmem>> -> memref<80xi32, #tpu.memory_space<vmem>>
    %dma_wait3A_53 = arith.constant 0 : i32
    %dma_wait3A_54 = arith.constant 0 : i32
    %dma_wait3A_55 = tpu.memref_slice %arg15[%dma_wait3A_53, %dma_wait3A_54] : memref<10240x16xf32, #tpu.memory_space<vmem_shared>> -> memref<10240x16xf32, #tpu.memory_space<vmem_shared>>
    tpu.wait_indirect_dma semaphore(%arg16 : memref<!tpu.dma_semaphore, #tpu.memory_space<semaphore_mem>>) src(%dma_wait3A_55 : memref<10240x16xf32, #tpu.memory_space<vmem_shared>>) dst(%arg9 : memref<80x16xf32, #tpu.memory_space<vmem>>)
    %dma_start3A_56 = arith.constant 120 : i32
    %dma_start3A_57 = arith.constant 0 : i32
    %dma_start3A_58 = tpu.memref_slice %arg8[%dma_start3A_56, %dma_start3A_57] : memref<125x80xi32, #tpu.memory_space<vmem>> -> memref<1x80xi32, #tpu.memory_space<vmem>>
    %dma_start3A_59 = tpu.memref_squeeze %dma_start3A_58 : memref<1x80xi32, #tpu.memory_space<vmem>> -> memref<80xi32, #tpu.memory_space<vmem>>
    %dma_start3A_60 = arith.constant 0 : i32
    %dma_start3A_61 = arith.constant 0 : i32
    %dma_start3A_62 = tpu.memref_slice %arg14[%dma_start3A_60, %dma_start3A_61] : memref<10240x16xf32, #tpu.memory_space<vmem_shared>> -> memref<10240x16xf32, #tpu.memory_space<vmem_shared>>
    tpu.enqueue_indirect_dma source(%arg9 : memref<80x16xf32, #tpu.memory_space<vmem>>) target(%dma_start3A_62 : memref<10240x16xf32, #tpu.memory_space<vmem_shared>>) offsets(%dma_start3A_59 : memref<80xi32, #tpu.memory_space<vmem>>) semaphore(%arg21 : memref<!tpu.dma_semaphore, #tpu.memory_space<semaphore_mem>>) {add = true}
    %dma_wait3A_63 = arith.constant 121 : i32
    %dma_wait3A_64 = arith.constant 0 : i32
    %dma_wait3A_65 = tpu.memref_slice %arg7[%dma_wait3A_63, %dma_wait3A_64] : memref<125x80xi32, #tpu.memory_space<vmem>> -> memref<1x80xi32, #tpu.memory_space<vmem>>
    %dma_wait3A_66 = tpu.memref_squeeze %dma_wait3A_65 : memref<1x80xi32, #tpu.memory_space<vmem>> -> memref<80xi32, #tpu.memory_space<vmem>>
    %dma_wait3A_67 = arith.constant 0 : i32
    %dma_wait3A_68 = arith.constant 0 : i32
    %dma_wait3A_69 = tpu.memref_slice %arg15[%dma_wait3A_67, %dma_wait3A_68] : memref<10240x16xf32, #tpu.memory_space<vmem_shared>> -> memref<10240x16xf32, #tpu.memory_space<vmem_shared>>
    tpu.wait_indirect_dma semaphore(%arg17 : memref<!tpu.dma_semaphore, #tpu.memory_space<semaphore_mem>>) src(%dma_wait3A_69 : memref<10240x16xf32, #tpu.memory_space<vmem_shared>>) dst(%arg10 : memref<80x16xf32, #tpu.memory_space<vmem>>)
    %dma_start3A_70 = arith.constant 121 : i32
    %dma_start3A_71 = arith.constant 0 : i32
    %dma_start3A_72 = tpu.memref_slice %arg8[%dma_start3A_70, %dma_start3A_71] : memref<125x80xi32, #tpu.memory_space<vmem>> -> memref<1x80xi32, #tpu.memory_space<vmem>>
    %dma_start3A_73 = tpu.memref_squeeze %dma_start3A_72 : memref<1x80xi32, #tpu.memory_space<vmem>> -> memref<80xi32, #tpu.memory_space<vmem>>
    %dma_start3A_74 = arith.constant 0 : i32
    %dma_start3A_75 = arith.constant 0 : i32
    %dma_start3A_76 = tpu.memref_slice %arg14[%dma_start3A_74, %dma_start3A_75] : memref<10240x16xf32, #tpu.memory_space<vmem_shared>> -> memref<10240x16xf32, #tpu.memory_space<vmem_shared>>
    tpu.enqueue_indirect_dma source(%arg10 : memref<80x16xf32, #tpu.memory_space<vmem>>) target(%dma_start3A_76 : memref<10240x16xf32, #tpu.memory_space<vmem_shared>>) offsets(%dma_start3A_73 : memref<80xi32, #tpu.memory_space<vmem>>) semaphore(%arg22 : memref<!tpu.dma_semaphore, #tpu.memory_space<semaphore_mem>>) {add = true}
    %dma_wait3A_77 = arith.constant 122 : i32
    %dma_wait3A_78 = arith.constant 0 : i32
    %dma_wait3A_79 = tpu.memref_slice %arg7[%dma_wait3A_77, %dma_wait3A_78] : memref<125x80xi32, #tpu.memory_space<vmem>> -> memref<1x80xi32, #tpu.memory_space<vmem>>
    %dma_wait3A_80 = tpu.memref_squeeze %dma_wait3A_79 : memref<1x80xi32, #tpu.memory_space<vmem>> -> memref<80xi32, #tpu.memory_space<vmem>>
    %dma_wait3A_81 = arith.constant 0 : i32
    %dma_wait3A_82 = arith.constant 0 : i32
    %dma_wait3A_83 = tpu.memref_slice %arg15[%dma_wait3A_81, %dma_wait3A_82] : memref<10240x16xf32, #tpu.memory_space<vmem_shared>> -> memref<10240x16xf32, #tpu.memory_space<vmem_shared>>
    tpu.wait_indirect_dma semaphore(%arg18 : memref<!tpu.dma_semaphore, #tpu.memory_space<semaphore_mem>>) src(%dma_wait3A_83 : memref<10240x16xf32, #tpu.memory_space<vmem_shared>>) dst(%arg11 : memref<80x16xf32, #tpu.memory_space<vmem>>)
    %dma_start3A_84 = arith.constant 122 : i32
    %dma_start3A_85 = arith.constant 0 : i32
    %dma_start3A_86 = tpu.memref_slice %arg8[%dma_start3A_84, %dma_start3A_85] : memref<125x80xi32, #tpu.memory_space<vmem>> -> memref<1x80xi32, #tpu.memory_space<vmem>>
    %dma_start3A_87 = tpu.memref_squeeze %dma_start3A_86 : memref<1x80xi32, #tpu.memory_space<vmem>> -> memref<80xi32, #tpu.memory_space<vmem>>
    %dma_start3A_88 = arith.constant 0 : i32
    %dma_start3A_89 = arith.constant 0 : i32
    %dma_start3A_90 = tpu.memref_slice %arg14[%dma_start3A_88, %dma_start3A_89] : memref<10240x16xf32, #tpu.memory_space<vmem_shared>> -> memref<10240x16xf32, #tpu.memory_space<vmem_shared>>
    tpu.enqueue_indirect_dma source(%arg11 : memref<80x16xf32, #tpu.memory_space<vmem>>) target(%dma_start3A_90 : memref<10240x16xf32, #tpu.memory_space<vmem_shared>>) offsets(%dma_start3A_87 : memref<80xi32, #tpu.memory_space<vmem>>) semaphore(%arg23 : memref<!tpu.dma_semaphore, #tpu.memory_space<semaphore_mem>>) {add = true}
    %dma_wait3A_91 = arith.constant 123 : i32
    %dma_wait3A_92 = arith.constant 0 : i32
    %dma_wait3A_93 = tpu.memref_slice %arg7[%dma_wait3A_91, %dma_wait3A_92] : memref<125x80xi32, #tpu.memory_space<vmem>> -> memref<1x80xi32, #tpu.memory_space<vmem>>
    %dma_wait3A_94 = tpu.memref_squeeze %dma_wait3A_93 : memref<1x80xi32, #tpu.memory_space<vmem>> -> memref<80xi32, #tpu.memory_space<vmem>>
    %dma_wait3A_95 = arith.constant 0 : i32
    %dma_wait3A_96 = arith.constant 0 : i32
    %dma_wait3A_97 = tpu.memref_slice %arg15[%dma_wait3A_95, %dma_wait3A_96] : memref<10240x16xf32, #tpu.memory_space<vmem_shared>> -> memref<10240x16xf32, #tpu.memory_space<vmem_shared>>
    tpu.wait_indirect_dma semaphore(%arg19 : memref<!tpu.dma_semaphore, #tpu.memory_space<semaphore_mem>>) src(%dma_wait3A_97 : memref<10240x16xf32, #tpu.memory_space<vmem_shared>>) dst(%arg12 : memref<80x16xf32, #tpu.memory_space<vmem>>)
    %dma_start3A_98 = arith.constant 123 : i32
    %dma_start3A_99 = arith.constant 0 : i32
    %dma_start3A_100 = tpu.memref_slice %arg8[%dma_start3A_98, %dma_start3A_99] : memref<125x80xi32, #tpu.memory_space<vmem>> -> memref<1x80xi32, #tpu.memory_space<vmem>>
    %dma_start3A_101 = tpu.memref_squeeze %dma_start3A_100 : memref<1x80xi32, #tpu.memory_space<vmem>> -> memref<80xi32, #tpu.memory_space<vmem>>
    %dma_start3A_102 = arith.constant 0 : i32
    %dma_start3A_103 = arith.constant 0 : i32
    %dma_start3A_104 = tpu.memref_slice %arg14[%dma_start3A_102, %dma_start3A_103] : memref<10240x16xf32, #tpu.memory_space<vmem_shared>> -> memref<10240x16xf32, #tpu.memory_space<vmem_shared>>
    tpu.enqueue_indirect_dma source(%arg12 : memref<80x16xf32, #tpu.memory_space<vmem>>) target(%dma_start3A_104 : memref<10240x16xf32, #tpu.memory_space<vmem_shared>>) offsets(%dma_start3A_101 : memref<80xi32, #tpu.memory_space<vmem>>) semaphore(%arg24 : memref<!tpu.dma_semaphore, #tpu.memory_space<semaphore_mem>>) {add = true}
    %dma_wait3A_105 = arith.constant 124 : i32
    %dma_wait3A_106 = arith.constant 0 : i32
    %dma_wait3A_107 = tpu.memref_slice %arg7[%dma_wait3A_105, %dma_wait3A_106] : memref<125x80xi32, #tpu.memory_space<vmem>> -> memref<1x80xi32, #tpu.memory_space<vmem>>
    %dma_wait3A_108 = tpu.memref_squeeze %dma_wait3A_107 : memref<1x80xi32, #tpu.memory_space<vmem>> -> memref<80xi32, #tpu.memory_space<vmem>>
    %dma_wait3A_109 = arith.constant 0 : i32
    %dma_wait3A_110 = arith.constant 0 : i32
    %dma_wait3A_111 = tpu.memref_slice %arg15[%dma_wait3A_109, %dma_wait3A_110] : memref<10240x16xf32, #tpu.memory_space<vmem_shared>> -> memref<10240x16xf32, #tpu.memory_space<vmem_shared>>
    tpu.wait_indirect_dma semaphore(%arg20 : memref<!tpu.dma_semaphore, #tpu.memory_space<semaphore_mem>>) src(%dma_wait3A_111 : memref<10240x16xf32, #tpu.memory_space<vmem_shared>>) dst(%arg13 : memref<80x16xf32, #tpu.memory_space<vmem>>)
    %dma_start3A_112 = arith.constant 124 : i32
    %dma_start3A_113 = arith.constant 0 : i32
    %dma_start3A_114 = tpu.memref_slice %arg8[%dma_start3A_112, %dma_start3A_113] : memref<125x80xi32, #tpu.memory_space<vmem>> -> memref<1x80xi32, #tpu.memory_space<vmem>>
    %dma_start3A_115 = tpu.memref_squeeze %dma_start3A_114 : memref<1x80xi32, #tpu.memory_space<vmem>> -> memref<80xi32, #tpu.memory_space<vmem>>
    %dma_start3A_116 = arith.constant 0 : i32
    %dma_start3A_117 = arith.constant 0 : i32
    %dma_start3A_118 = tpu.memref_slice %arg14[%dma_start3A_116, %dma_start3A_117] : memref<10240x16xf32, #tpu.memory_space<vmem_shared>> -> memref<10240x16xf32, #tpu.memory_space<vmem_shared>>
    tpu.enqueue_indirect_dma source(%arg13 : memref<80x16xf32, #tpu.memory_space<vmem>>) target(%dma_start3A_118 : memref<10240x16xf32, #tpu.memory_space<vmem_shared>>) offsets(%dma_start3A_115 : memref<80xi32, #tpu.memory_space<vmem>>) semaphore(%arg25 : memref<!tpu.dma_semaphore, #tpu.memory_space<semaphore_mem>>) {add = true}
    %dma_wait3A_119 = arith.constant 120 : i32
    %dma_wait3A_120 = arith.constant 0 : i32
    %dma_wait3A_121 = tpu.memref_slice %arg8[%dma_wait3A_119, %dma_wait3A_120] : memref<125x80xi32, #tpu.memory_space<vmem>> -> memref<1x80xi32, #tpu.memory_space<vmem>>
    %dma_wait3A_122 = tpu.memref_squeeze %dma_wait3A_121 : memref<1x80xi32, #tpu.memory_space<vmem>> -> memref<80xi32, #tpu.memory_space<vmem>>
    %dma_wait3A_123 = arith.constant 0 : i32
    %dma_wait3A_124 = arith.constant 0 : i32
    %dma_wait3A_125 = tpu.memref_slice %arg14[%dma_wait3A_123, %dma_wait3A_124] : memref<10240x16xf32, #tpu.memory_space<vmem_shared>> -> memref<10240x16xf32, #tpu.memory_space<vmem_shared>>
    tpu.wait_indirect_dma semaphore(%arg21 : memref<!tpu.dma_semaphore, #tpu.memory_space<semaphore_mem>>) src(%arg9 : memref<80x16xf32, #tpu.memory_space<vmem>>) dst(%dma_wait3A_125 : memref<10240x16xf32, #tpu.memory_space<vmem_shared>>)
    %dma_wait3A_126 = arith.constant 121 : i32
    %dma_wait3A_127 = arith.constant 0 : i32
    %dma_wait3A_128 = tpu.memref_slice %arg8[%dma_wait3A_126, %dma_wait3A_127] : memref<125x80xi32, #tpu.memory_space<vmem>> -> memref<1x80xi32, #tpu.memory_space<vmem>>
    %dma_wait3A_129 = tpu.memref_squeeze %dma_wait3A_128 : memref<1x80xi32, #tpu.memory_space<vmem>> -> memref<80xi32, #tpu.memory_space<vmem>>
    %dma_wait3A_130 = arith.constant 0 : i32
    %dma_wait3A_131 = arith.constant 0 : i32
    %dma_wait3A_132 = tpu.memref_slice %arg14[%dma_wait3A_130, %dma_wait3A_131] : memref<10240x16xf32, #tpu.memory_space<vmem_shared>> -> memref<10240x16xf32, #tpu.memory_space<vmem_shared>>
    tpu.wait_indirect_dma semaphore(%arg22 : memref<!tpu.dma_semaphore, #tpu.memory_space<semaphore_mem>>) src(%arg10 : memref<80x16xf32, #tpu.memory_space<vmem>>) dst(%dma_wait3A_132 : memref<10240x16xf32, #tpu.memory_space<vmem_shared>>)
    %dma_wait3A_133 = arith.constant 122 : i32
    %dma_wait3A_134 = arith.constant 0 : i32
    %dma_wait3A_135 = tpu.memref_slice %arg8[%dma_wait3A_133, %dma_wait3A_134] : memref<125x80xi32, #tpu.memory_space<vmem>> -> memref<1x80xi32, #tpu.memory_space<vmem>>
    %dma_wait3A_136 = tpu.memref_squeeze %dma_wait3A_135 : memref<1x80xi32, #tpu.memory_space<vmem>> -> memref<80xi32, #tpu.memory_space<vmem>>
    %dma_wait3A_137 = arith.constant 0 : i32
    %dma_wait3A_138 = arith.constant 0 : i32
    %dma_wait3A_139 = tpu.memref_slice %arg14[%dma_wait3A_137, %dma_wait3A_138] : memref<10240x16xf32, #tpu.memory_space<vmem_shared>> -> memref<10240x16xf32, #tpu.memory_space<vmem_shared>>
    tpu.wait_indirect_dma semaphore(%arg23 : memref<!tpu.dma_semaphore, #tpu.memory_space<semaphore_mem>>) src(%arg11 : memref<80x16xf32, #tpu.memory_space<vmem>>) dst(%dma_wait3A_139 : memref<10240x16xf32, #tpu.memory_space<vmem_shared>>)
    %dma_wait3A_140 = arith.constant 123 : i32
    %dma_wait3A_141 = arith.constant 0 : i32
    %dma_wait3A_142 = tpu.memref_slice %arg8[%dma_wait3A_140, %dma_wait3A_141] : memref<125x80xi32, #tpu.memory_space<vmem>> -> memref<1x80xi32, #tpu.memory_space<vmem>>
    %dma_wait3A_143 = tpu.memref_squeeze %dma_wait3A_142 : memref<1x80xi32, #tpu.memory_space<vmem>> -> memref<80xi32, #tpu.memory_space<vmem>>
    %dma_wait3A_144 = arith.constant 0 : i32
    %dma_wait3A_145 = arith.constant 0 : i32
    %dma_wait3A_146 = tpu.memref_slice %arg14[%dma_wait3A_144, %dma_wait3A_145] : memref<10240x16xf32, #tpu.memory_space<vmem_shared>> -> memref<10240x16xf32, #tpu.memory_space<vmem_shared>>
    tpu.wait_indirect_dma semaphore(%arg24 : memref<!tpu.dma_semaphore, #tpu.memory_space<semaphore_mem>>) src(%arg12 : memref<80x16xf32, #tpu.memory_space<vmem>>) dst(%dma_wait3A_146 : memref<10240x16xf32, #tpu.memory_space<vmem_shared>>)
    %dma_wait3A_147 = arith.constant 124 : i32
    %dma_wait3A_148 = arith.constant 0 : i32
    %dma_wait3A_149 = tpu.memref_slice %arg8[%dma_wait3A_147, %dma_wait3A_148] : memref<125x80xi32, #tpu.memory_space<vmem>> -> memref<1x80xi32, #tpu.memory_space<vmem>>
    %dma_wait3A_150 = tpu.memref_squeeze %dma_wait3A_149 : memref<1x80xi32, #tpu.memory_space<vmem>> -> memref<80xi32, #tpu.memory_space<vmem>>
    %dma_wait3A_151 = arith.constant 0 : i32
    %dma_wait3A_152 = arith.constant 0 : i32
    %dma_wait3A_153 = tpu.memref_slice %arg14[%dma_wait3A_151, %dma_wait3A_152] : memref<10240x16xf32, #tpu.memory_space<vmem_shared>> -> memref<10240x16xf32, #tpu.memory_space<vmem_shared>>
    tpu.wait_indirect_dma semaphore(%arg25 : memref<!tpu.dma_semaphore, #tpu.memory_space<semaphore_mem>>) src(%arg13 : memref<80x16xf32, #tpu.memory_space<vmem>>) dst(%dma_wait3A_153 : memref<10240x16xf32, #tpu.memory_space<vmem_shared>>)
    %barrier3A_154 = arith.constant 0 : index
    tpu.barrier barrier_id(%barrier3A_154)
    %eq3A = arith.constant 0 : i32
    %eq3A_155 = arith.cmpi eq, %arg0, %eq3A : i32
    %convert_element_type3A = arith.extui %eq3A_155 : i1 to i32
    %cond3A = arith.constant 0 : i32
    %cond3A_156 = arith.cmpi ne, %convert_element_type3A, %cond3A : i32
    scf.if %cond3A_156 {
      %mul3A_162 = arith.constant 640 : i32
      %mul3A_163 = arith.muli %arg1, %mul3A_162 : i32
      %mul3A_164 = arith.constant 640 : i32
      %mul3A_165 = arith.muli %arg1, %mul3A_164 : i32
      "tpu.region"() ({
        %run_scoped3A_166 = tpu.sem_alloc : memref<!tpu.dma_semaphore, #tpu.memory_space<semaphore_mem>>
        %dma_start3A_167 = arith.constant 0 : i32
        %dma_start3A_168 = tpu.memref_slice %arg5[%mul3A_165, %dma_start3A_167] : memref<10240x16xf32, #tpu.memory_space<hbm>> -> memref<640x16xf32, #tpu.memory_space<hbm>>
        %dma_start3A_169 = arith.constant 0 : i32
        %dma_start3A_170 = tpu.memref_slice %arg14[%mul3A_163, %dma_start3A_169] : memref<10240x16xf32, #tpu.memory_space<vmem_shared>> -> memref<640x16xf32, #tpu.memory_space<vmem_shared>>
        tpu.enqueue_dma source(%dma_start3A_170 : memref<640x16xf32, #tpu.memory_space<vmem_shared>>) target(%dma_start3A_168 : memref<640x16xf32, #tpu.memory_space<hbm>>) target_semaphore(%run_scoped3A_166 : memref<!tpu.dma_semaphore, #tpu.memory_space<semaphore_mem>>)
        %dma_wait3A_171 = arith.constant 0 : i32
        %dma_wait3A_172 = tpu.memref_slice %arg5[%mul3A_165, %dma_wait3A_171] : memref<10240x16xf32, #tpu.memory_space<hbm>> -> memref<640x16xf32, #tpu.memory_space<hbm>>
        %dma_wait3A_173 = arith.constant 0 : i32
        %dma_wait3A_174 = tpu.memref_slice %arg14[%mul3A_163, %dma_wait3A_173] : memref<10240x16xf32, #tpu.memory_space<vmem_shared>> -> memref<640x16xf32, #tpu.memory_space<vmem_shared>>
        tpu.wait_dma2 semaphore(%run_scoped3A_166 : memref<!tpu.dma_semaphore, #tpu.memory_space<semaphore_mem>>) src(%dma_wait3A_174 : memref<640x16xf32, #tpu.memory_space<vmem_shared>>) dst(%dma_wait3A_172 : memref<640x16xf32, #tpu.memory_space<hbm>>)
        tpu.yield
      }) : () -> ()
    } else {
    }
    %eq3A_157 = arith.constant 1 : i32
    %eq3A_158 = arith.cmpi eq, %arg0, %eq3A_157 : i32
    %convert_element_type3A_159 = arith.extui %eq3A_158 : i1 to i32
    %cond3A_160 = arith.constant 0 : i32
    %cond3A_161 = arith.cmpi ne, %convert_element_type3A_159, %cond3A_160 : i32
    scf.if %cond3A_161 {
      %mul3A_162 = arith.constant 640 : i32
      %mul3A_163 = arith.muli %arg1, %mul3A_162 : i32
      %mul3A_164 = arith.constant 640 : i32
      %mul3A_165 = arith.muli %arg1, %mul3A_164 : i32
      "tpu.region"() ({
        %run_scoped3A_166 = tpu.sem_alloc : memref<!tpu.dma_semaphore, #tpu.memory_space<semaphore_mem>>
        %dma_start3A_167 = arith.constant 0 : i32
        %dma_start3A_168 = tpu.memref_slice %arg6[%mul3A_165, %dma_start3A_167] : memref<10240x16xf32, #tpu.memory_space<hbm>> -> memref<640x16xf32, #tpu.memory_space<hbm>>
        %dma_start3A_169 = arith.constant 0 : i32
        %dma_start3A_170 = tpu.memref_slice %arg14[%mul3A_163, %dma_start3A_169] : memref<10240x16xf32, #tpu.memory_space<vmem_shared>> -> memref<640x16xf32, #tpu.memory_space<vmem_shared>>
        tpu.enqueue_dma source(%dma_start3A_170 : memref<640x16xf32, #tpu.memory_space<vmem_shared>>) target(%dma_start3A_168 : memref<640x16xf32, #tpu.memory_space<hbm>>) target_semaphore(%run_scoped3A_166 : memref<!tpu.dma_semaphore, #tpu.memory_space<semaphore_mem>>)
        %dma_wait3A_171 = arith.constant 0 : i32
        %dma_wait3A_172 = tpu.memref_slice %arg6[%mul3A_165, %dma_wait3A_171] : memref<10240x16xf32, #tpu.memory_space<hbm>> -> memref<640x16xf32, #tpu.memory_space<hbm>>
        %dma_wait3A_173 = arith.constant 0 : i32
        %dma_wait3A_174 = tpu.memref_slice %arg14[%mul3A_163, %dma_wait3A_173] : memref<10240x16xf32, #tpu.memory_space<vmem_shared>> -> memref<640x16xf32, #tpu.memory_space<vmem_shared>>
        tpu.wait_dma2 semaphore(%run_scoped3A_166 : memref<!tpu.dma_semaphore, #tpu.memory_space<semaphore_mem>>) src(%dma_wait3A_174 : memref<640x16xf32, #tpu.memory_space<vmem_shared>>) dst(%dma_wait3A_172 : memref<640x16xf32, #tpu.memory_space<hbm>>)
        tpu.yield
      }) : () -> ()
    } else {
    }
    return
  }
}

#map = affine_map<(d0, d1) -> (0, 0)>
#map1 = affine_map<(d0, d1) -> (0, 0, 0, 0)>
module attributes {stable_mosaic.version = 14 : i64} {
  func.func @_segsum_body(%arg0: i32, %arg1: i32, %arg2: memref<10240x16xf32, #tpu.memory_space<hbm>>, %arg3: memref<2x32x125x80xi32, #tpu.memory_space<hbm>>, %arg4: memref<10240x16xf32, #tpu.memory_space<hbm>>, %arg5: memref<10240x16xf32, #tpu.memory_space<hbm>>, %arg6: memref<10240x16xf32, #tpu.memory_space<hbm>>, %arg7: memref<125x80xi32, #tpu.memory_space<vmem>>, %arg8: memref<125x80xi32, #tpu.memory_space<vmem>>, %arg9: memref<80x16xf32, #tpu.memory_space<vmem>>, %arg10: memref<80x16xf32, #tpu.memory_space<vmem>>, %arg11: memref<80x16xf32, #tpu.memory_space<vmem>>, %arg12: memref<80x16xf32, #tpu.memory_space<vmem>>, %arg13: memref<80x16xf32, #tpu.memory_space<vmem>>, %arg14: memref<10240x16xf32, #tpu.memory_space<vmem_shared>>, %arg15: memref<10240x16xf32, #tpu.memory_space<vmem_shared>>, %arg16: memref<!tpu.dma_semaphore, #tpu.memory_space<semaphore_mem>>, %arg17: memref<!tpu.dma_semaphore, #tpu.memory_space<semaphore_mem>>, %arg18: memref<!tpu.dma_semaphore, #tpu.memory_space<semaphore_mem>>, %arg19: memref<!tpu.dma_semaphore, #tpu.memory_space<semaphore_mem>>, %arg20: memref<!tpu.dma_semaphore, #tpu.memory_space<semaphore_mem>>, %arg21: memref<!tpu.dma_semaphore, #tpu.memory_space<semaphore_mem>>, %arg22: memref<!tpu.dma_semaphore, #tpu.memory_space<semaphore_mem>>, %arg23: memref<!tpu.dma_semaphore, #tpu.memory_space<semaphore_mem>>, %arg24: memref<!tpu.dma_semaphore, #tpu.memory_space<semaphore_mem>>, %arg25: memref<!tpu.dma_semaphore, #tpu.memory_space<semaphore_mem>>) attributes {dimension_semantics = [#tpu.dimension_semantics<core_parallel>, #tpu.dimension_semantics<subcore_parallel>], iteration_bounds = array<i64: 2, 16>, scalar_prefetch = 0 : i64, scratch_operands = 19 : i64, tpu.core_type = #tpu.core_type<sc_vector_subcore>, window_params = [{transform_indices = #map}, {transform_indices = #map1}, {transform_indices = #map}, {transform_indices = #map}, {transform_indices = #map}]} {
    %mul3A = arith.constant 16 : i32
    %mul3A_0 = arith.muli %arg0, %mul3A : i32
    %add3A = arith.addi %mul3A_0, %arg1 : i32
    %run_scoped3A = arith.constant 0 : i32
    "tpu.region"() ({
      %run_scoped3A_162 = tpu.sem_alloc : memref<!tpu.dma_semaphore, #tpu.memory_space<semaphore_mem>>
      %dma_start3A_163 = arith.constant 0 : i32
      %dma_start3A_164 = arith.constant 0 : i32
      %dma_start3A_165 = tpu.memref_slice %arg3[%run_scoped3A, %add3A, %dma_start3A_163, %dma_start3A_164] : memref<2x32x125x80xi32, #tpu.memory_space<hbm>> -> memref<1x1x125x80xi32, #tpu.memory_space<hbm>>
      %dma_start3A_166 = tpu.memref_squeeze %dma_start3A_165 : memref<1x1x125x80xi32, #tpu.memory_space<hbm>> -> memref<125x80xi32, #tpu.memory_space<hbm>>
      %dma_start3A_167 = arith.constant 0 : i32
      %dma_start3A_168 = arith.constant 0 : i32
      %dma_start3A_169 = tpu.memref_slice %arg3[%run_scoped3A, %add3A, %dma_start3A_167, %dma_start3A_168] : memref<2x32x125x80xi32, #tpu.memory_space<hbm>> -> memref<1x1x125x80xi32, #tpu.memory_space<hbm>>
      %dma_start3A_170 = tpu.memref_squeeze %dma_start3A_169 : memref<1x1x125x80xi32, #tpu.memory_space<hbm>> -> memref<125x80xi32, #tpu.memory_space<hbm>>
      tpu.enqueue_dma source(%dma_start3A_170 : memref<125x80xi32, #tpu.memory_space<hbm>>) target(%arg7 : memref<125x80xi32, #tpu.memory_space<vmem>>) target_semaphore(%run_scoped3A_162 : memref<!tpu.dma_semaphore, #tpu.memory_space<semaphore_mem>>)
      %dma_wait3A_171 = arith.constant 0 : i32
      %dma_wait3A_172 = arith.constant 0 : i32
      %dma_wait3A_173 = tpu.memref_slice %arg3[%run_scoped3A, %add3A, %dma_wait3A_171, %dma_wait3A_172] : memref<2x32x125x80xi32, #tpu.memory_space<hbm>> -> memref<1x1x125x80xi32, #tpu.memory_space<hbm>>
      %dma_wait3A_174 = tpu.memref_squeeze %dma_wait3A_173 : memref<1x1x125x80xi32, #tpu.memory_space<hbm>> -> memref<125x80xi32, #tpu.memory_space<hbm>>
      %dma_wait3A_175 = arith.constant 0 : i32
      %dma_wait3A_176 = arith.constant 0 : i32
      %dma_wait3A_177 = tpu.memref_slice %arg3[%run_scoped3A, %add3A, %dma_wait3A_175, %dma_wait3A_176] : memref<2x32x125x80xi32, #tpu.memory_space<hbm>> -> memref<1x1x125x80xi32, #tpu.memory_space<hbm>>
      %dma_wait3A_178 = tpu.memref_squeeze %dma_wait3A_177 : memref<1x1x125x80xi32, #tpu.memory_space<hbm>> -> memref<125x80xi32, #tpu.memory_space<hbm>>
      tpu.wait_dma2 semaphore(%run_scoped3A_162 : memref<!tpu.dma_semaphore, #tpu.memory_space<semaphore_mem>>) src(%dma_wait3A_178 : memref<125x80xi32, #tpu.memory_space<hbm>>) dst(%arg7 : memref<125x80xi32, #tpu.memory_space<vmem>>)
      tpu.yield
    }) : () -> ()
    %run_scoped3A_1 = arith.constant 1 : i32
    "tpu.region"() ({
      %run_scoped3A_162 = tpu.sem_alloc : memref<!tpu.dma_semaphore, #tpu.memory_space<semaphore_mem>>
      %dma_start3A_163 = arith.constant 0 : i32
      %dma_start3A_164 = arith.constant 0 : i32
      %dma_start3A_165 = tpu.memref_slice %arg3[%run_scoped3A_1, %add3A, %dma_start3A_163, %dma_start3A_164] : memref<2x32x125x80xi32, #tpu.memory_space<hbm>> -> memref<1x1x125x80xi32, #tpu.memory_space<hbm>>
      %dma_start3A_166 = tpu.memref_squeeze %dma_start3A_165 : memref<1x1x125x80xi32, #tpu.memory_space<hbm>> -> memref<125x80xi32, #tpu.memory_space<hbm>>
      %dma_start3A_167 = arith.constant 0 : i32
      %dma_start3A_168 = arith.constant 0 : i32
      %dma_start3A_169 = tpu.memref_slice %arg3[%run_scoped3A_1, %add3A, %dma_start3A_167, %dma_start3A_168] : memref<2x32x125x80xi32, #tpu.memory_space<hbm>> -> memref<1x1x125x80xi32, #tpu.memory_space<hbm>>
      %dma_start3A_170 = tpu.memref_squeeze %dma_start3A_169 : memref<1x1x125x80xi32, #tpu.memory_space<hbm>> -> memref<125x80xi32, #tpu.memory_space<hbm>>
      tpu.enqueue_dma source(%dma_start3A_170 : memref<125x80xi32, #tpu.memory_space<hbm>>) target(%arg8 : memref<125x80xi32, #tpu.memory_space<vmem>>) target_semaphore(%run_scoped3A_162 : memref<!tpu.dma_semaphore, #tpu.memory_space<semaphore_mem>>)
      %dma_wait3A_171 = arith.constant 0 : i32
      %dma_wait3A_172 = arith.constant 0 : i32
      %dma_wait3A_173 = tpu.memref_slice %arg3[%run_scoped3A_1, %add3A, %dma_wait3A_171, %dma_wait3A_172] : memref<2x32x125x80xi32, #tpu.memory_space<hbm>> -> memref<1x1x125x80xi32, #tpu.memory_space<hbm>>
      %dma_wait3A_174 = tpu.memref_squeeze %dma_wait3A_173 : memref<1x1x125x80xi32, #tpu.memory_space<hbm>> -> memref<125x80xi32, #tpu.memory_space<hbm>>
      %dma_wait3A_175 = arith.constant 0 : i32
      %dma_wait3A_176 = arith.constant 0 : i32
      %dma_wait3A_177 = tpu.memref_slice %arg3[%run_scoped3A_1, %add3A, %dma_wait3A_175, %dma_wait3A_176] : memref<2x32x125x80xi32, #tpu.memory_space<hbm>> -> memref<1x1x125x80xi32, #tpu.memory_space<hbm>>
      %dma_wait3A_178 = tpu.memref_squeeze %dma_wait3A_177 : memref<1x1x125x80xi32, #tpu.memory_space<hbm>> -> memref<125x80xi32, #tpu.memory_space<hbm>>
      tpu.wait_dma2 semaphore(%run_scoped3A_162 : memref<!tpu.dma_semaphore, #tpu.memory_space<semaphore_mem>>) src(%dma_wait3A_178 : memref<125x80xi32, #tpu.memory_space<hbm>>) dst(%arg8 : memref<125x80xi32, #tpu.memory_space<vmem>>)
      tpu.yield
    }) : () -> ()
    %mul3A_2 = arith.constant 640 : i32
    %mul3A_3 = arith.muli %arg1, %mul3A_2 : i32
    %mul3A_4 = arith.constant 640 : i32
    %mul3A_5 = arith.muli %arg1, %mul3A_4 : i32
    "tpu.region"() ({
      %run_scoped3A_162 = tpu.sem_alloc : memref<!tpu.dma_semaphore, #tpu.memory_space<semaphore_mem>>
      %dma_start3A_163 = arith.constant 0 : i32
      %dma_start3A_164 = tpu.memref_slice %arg15[%mul3A_5, %dma_start3A_163] : memref<10240x16xf32, #tpu.memory_space<vmem_shared>> -> memref<640x16xf32, #tpu.memory_space<vmem_shared>>
      %dma_start3A_165 = arith.constant 0 : i32
      %dma_start3A_166 = tpu.memref_slice %arg2[%mul3A_3, %dma_start3A_165] : memref<10240x16xf32, #tpu.memory_space<hbm>> -> memref<640x16xf32, #tpu.memory_space<hbm>>
      tpu.enqueue_dma source(%dma_start3A_166 : memref<640x16xf32, #tpu.memory_space<hbm>>) target(%dma_start3A_164 : memref<640x16xf32, #tpu.memory_space<vmem_shared>>) target_semaphore(%run_scoped3A_162 : memref<!tpu.dma_semaphore, #tpu.memory_space<semaphore_mem>>)
      %dma_wait3A_167 = arith.constant 0 : i32
      %dma_wait3A_168 = tpu.memref_slice %arg15[%mul3A_5, %dma_wait3A_167] : memref<10240x16xf32, #tpu.memory_space<vmem_shared>> -> memref<640x16xf32, #tpu.memory_space<vmem_shared>>
      %dma_wait3A_169 = arith.constant 0 : i32
      %dma_wait3A_170 = tpu.memref_slice %arg2[%mul3A_3, %dma_wait3A_169] : memref<10240x16xf32, #tpu.memory_space<hbm>> -> memref<640x16xf32, #tpu.memory_space<hbm>>
      tpu.wait_dma2 semaphore(%run_scoped3A_162 : memref<!tpu.dma_semaphore, #tpu.memory_space<semaphore_mem>>) src(%dma_wait3A_170 : memref<640x16xf32, #tpu.memory_space<hbm>>) dst(%dma_wait3A_168 : memref<640x16xf32, #tpu.memory_space<vmem_shared>>)
      tpu.yield
    }) : () -> ()
    %mul3A_6 = arith.constant 640 : i32
    %mul3A_7 = arith.muli %arg1, %mul3A_6 : i32
    %mul3A_8 = arith.constant 640 : i32
    %mul3A_9 = arith.muli %arg1, %mul3A_8 : i32
    "tpu.region"() ({
      %run_scoped3A_162 = tpu.sem_alloc : memref<!tpu.dma_semaphore, #tpu.memory_space<semaphore_mem>>
      %dma_start3A_163 = arith.constant 0 : i32
      %dma_start3A_164 = tpu.memref_slice %arg14[%mul3A_9, %dma_start3A_163] : memref<10240x16xf32, #tpu.memory_space<vmem_shared>> -> memref<640x16xf32, #tpu.memory_space<vmem_shared>>
      %dma_start3A_165 = arith.constant 0 : i32
      %dma_start3A_166 = tpu.memref_slice %arg4[%mul3A_7, %dma_start3A_165] : memref<10240x16xf32, #tpu.memory_space<hbm>> -> memref<640x16xf32, #tpu.memory_space<hbm>>
      tpu.enqueue_dma source(%dma_start3A_166 : memref<640x16xf32, #tpu.memory_space<hbm>>) target(%dma_start3A_164 : memref<640x16xf32, #tpu.memory_space<vmem_shared>>) target_semaphore(%run_scoped3A_162 : memref<!tpu.dma_semaphore, #tpu.memory_space<semaphore_mem>>)
      %dma_wait3A_167 = arith.constant 0 : i32
      %dma_wait3A_168 = tpu.memref_slice %arg14[%mul3A_9, %dma_wait3A_167] : memref<10240x16xf32, #tpu.memory_space<vmem_shared>> -> memref<640x16xf32, #tpu.memory_space<vmem_shared>>
      %dma_wait3A_169 = arith.constant 0 : i32
      %dma_wait3A_170 = tpu.memref_slice %arg4[%mul3A_7, %dma_wait3A_169] : memref<10240x16xf32, #tpu.memory_space<hbm>> -> memref<640x16xf32, #tpu.memory_space<hbm>>
      tpu.wait_dma2 semaphore(%run_scoped3A_162 : memref<!tpu.dma_semaphore, #tpu.memory_space<semaphore_mem>>) src(%dma_wait3A_170 : memref<640x16xf32, #tpu.memory_space<hbm>>) dst(%dma_wait3A_168 : memref<640x16xf32, #tpu.memory_space<vmem_shared>>)
      tpu.yield
    }) : () -> ()
    %barrier3A = arith.constant 0 : index
    tpu.barrier barrier_id(%barrier3A)
    %dma_start3A = arith.constant 0 : i32
    %dma_start3A_10 = arith.constant 0 : i32
    %dma_start3A_11 = tpu.memref_slice %arg7[%dma_start3A, %dma_start3A_10] : memref<125x80xi32, #tpu.memory_space<vmem>> -> memref<1x80xi32, #tpu.memory_space<vmem>>
    %dma_start3A_12 = tpu.memref_squeeze %dma_start3A_11 : memref<1x80xi32, #tpu.memory_space<vmem>> -> memref<80xi32, #tpu.memory_space<vmem>>
    %dma_start3A_13 = arith.constant 0 : i32
    %dma_start3A_14 = arith.constant 0 : i32
    %dma_start3A_15 = tpu.memref_slice %arg15[%dma_start3A_13, %dma_start3A_14] : memref<10240x16xf32, #tpu.memory_space<vmem_shared>> -> memref<10240x16xf32, #tpu.memory_space<vmem_shared>>
    tpu.enqueue_indirect_dma source(%dma_start3A_15 : memref<10240x16xf32, #tpu.memory_space<vmem_shared>>) target(%arg9 : memref<80x16xf32, #tpu.memory_space<vmem>>) offsets(%dma_start3A_12 : memref<80xi32, #tpu.memory_space<vmem>>) semaphore(%arg16 : memref<!tpu.dma_semaphore, #tpu.memory_space<semaphore_mem>>)
    %dma_start3A_16 = arith.constant 1 : i32
    %dma_start3A_17 = arith.constant 0 : i32
    %dma_start3A_18 = tpu.memref_slice %arg7[%dma_start3A_16, %dma_start3A_17] : memref<125x80xi32, #tpu.memory_space<vmem>> -> memref<1x80xi32, #tpu.memory_space<vmem>>
    %dma_start3A_19 = tpu.memref_squeeze %dma_start3A_18 : memref<1x80xi32, #tpu.memory_space<vmem>> -> memref<80xi32, #tpu.memory_space<vmem>>
    %dma_start3A_20 = arith.constant 0 : i32
    %dma_start3A_21 = arith.constant 0 : i32
    %dma_start3A_22 = tpu.memref_slice %arg15[%dma_start3A_20, %dma_start3A_21] : memref<10240x16xf32, #tpu.memory_space<vmem_shared>> -> memref<10240x16xf32, #tpu.memory_space<vmem_shared>>
    tpu.enqueue_indirect_dma source(%dma_start3A_22 : memref<10240x16xf32, #tpu.memory_space<vmem_shared>>) target(%arg10 : memref<80x16xf32, #tpu.memory_space<vmem>>) offsets(%dma_start3A_19 : memref<80xi32, #tpu.memory_space<vmem>>) semaphore(%arg17 : memref<!tpu.dma_semaphore, #tpu.memory_space<semaphore_mem>>)
    %dma_start3A_23 = arith.constant 2 : i32
    %dma_start3A_24 = arith.constant 0 : i32
    %dma_start3A_25 = tpu.memref_slice %arg7[%dma_start3A_23, %dma_start3A_24] : memref<125x80xi32, #tpu.memory_space<vmem>> -> memref<1x80xi32, #tpu.memory_space<vmem>>
    %dma_start3A_26 = tpu.memref_squeeze %dma_start3A_25 : memref<1x80xi32, #tpu.memory_space<vmem>> -> memref<80xi32, #tpu.memory_space<vmem>>
    %dma_start3A_27 = arith.constant 0 : i32
    %dma_start3A_28 = arith.constant 0 : i32
    %dma_start3A_29 = tpu.memref_slice %arg15[%dma_start3A_27, %dma_start3A_28] : memref<10240x16xf32, #tpu.memory_space<vmem_shared>> -> memref<10240x16xf32, #tpu.memory_space<vmem_shared>>
    tpu.enqueue_indirect_dma source(%dma_start3A_29 : memref<10240x16xf32, #tpu.memory_space<vmem_shared>>) target(%arg11 : memref<80x16xf32, #tpu.memory_space<vmem>>) offsets(%dma_start3A_26 : memref<80xi32, #tpu.memory_space<vmem>>) semaphore(%arg18 : memref<!tpu.dma_semaphore, #tpu.memory_space<semaphore_mem>>)
    %dma_start3A_30 = arith.constant 3 : i32
    %dma_start3A_31 = arith.constant 0 : i32
    %dma_start3A_32 = tpu.memref_slice %arg7[%dma_start3A_30, %dma_start3A_31] : memref<125x80xi32, #tpu.memory_space<vmem>> -> memref<1x80xi32, #tpu.memory_space<vmem>>
    %dma_start3A_33 = tpu.memref_squeeze %dma_start3A_32 : memref<1x80xi32, #tpu.memory_space<vmem>> -> memref<80xi32, #tpu.memory_space<vmem>>
    %dma_start3A_34 = arith.constant 0 : i32
    %dma_start3A_35 = arith.constant 0 : i32
    %dma_start3A_36 = tpu.memref_slice %arg15[%dma_start3A_34, %dma_start3A_35] : memref<10240x16xf32, #tpu.memory_space<vmem_shared>> -> memref<10240x16xf32, #tpu.memory_space<vmem_shared>>
    tpu.enqueue_indirect_dma source(%dma_start3A_36 : memref<10240x16xf32, #tpu.memory_space<vmem_shared>>) target(%arg12 : memref<80x16xf32, #tpu.memory_space<vmem>>) offsets(%dma_start3A_33 : memref<80xi32, #tpu.memory_space<vmem>>) semaphore(%arg19 : memref<!tpu.dma_semaphore, #tpu.memory_space<semaphore_mem>>)
    %dma_start3A_37 = arith.constant 4 : i32
    %dma_start3A_38 = arith.constant 0 : i32
    %dma_start3A_39 = tpu.memref_slice %arg7[%dma_start3A_37, %dma_start3A_38] : memref<125x80xi32, #tpu.memory_space<vmem>> -> memref<1x80xi32, #tpu.memory_space<vmem>>
    %dma_start3A_40 = tpu.memref_squeeze %dma_start3A_39 : memref<1x80xi32, #tpu.memory_space<vmem>> -> memref<80xi32, #tpu.memory_space<vmem>>
    %dma_start3A_41 = arith.constant 0 : i32
    %dma_start3A_42 = arith.constant 0 : i32
    %dma_start3A_43 = tpu.memref_slice %arg15[%dma_start3A_41, %dma_start3A_42] : memref<10240x16xf32, #tpu.memory_space<vmem_shared>> -> memref<10240x16xf32, #tpu.memory_space<vmem_shared>>
    tpu.enqueue_indirect_dma source(%dma_start3A_43 : memref<10240x16xf32, #tpu.memory_space<vmem_shared>>) target(%arg13 : memref<80x16xf32, #tpu.memory_space<vmem>>) offsets(%dma_start3A_40 : memref<80xi32, #tpu.memory_space<vmem>>) semaphore(%arg20 : memref<!tpu.dma_semaphore, #tpu.memory_space<semaphore_mem>>)
    %scan3A = arith.constant 0 : i32
    %scan3A_44 = arith.constant 0 : i32
    %scan3A_45 = arith.constant 24 : i32
    %scan3A_46 = arith.addi %scan3A_44, %scan3A_45 : i32
    %scan3A_47 = arith.constant 1 : i32
    %scan3A_48 = scf.for %scan3A_162 = %scan3A_44 to %scan3A_46 step %scan3A_47 iter_args(%scan3A_163 = %scan3A) -> (i32)  : i32 {
      %mul3A_164 = arith.constant 5 : i32
      %mul3A_165 = arith.muli %scan3A_162, %mul3A_164 : i32
      %add3A_166 = arith.constant 0 : i32
      %add3A_167 = arith.addi %mul3A_165, %add3A_166 : i32
      %dma_wait3A_168 = arith.constant 0 : i32
      %dma_wait3A_169 = tpu.memref_slice %arg7[%add3A_167, %dma_wait3A_168] : memref<125x80xi32, #tpu.memory_space<vmem>> -> memref<1x80xi32, #tpu.memory_space<vmem>>
      %dma_wait3A_170 = tpu.memref_squeeze %dma_wait3A_169 : memref<1x80xi32, #tpu.memory_space<vmem>> -> memref<80xi32, #tpu.memory_space<vmem>>
      %dma_wait3A_171 = arith.constant 0 : i32
      %dma_wait3A_172 = arith.constant 0 : i32
      %dma_wait3A_173 = tpu.memref_slice %arg15[%dma_wait3A_171, %dma_wait3A_172] : memref<10240x16xf32, #tpu.memory_space<vmem_shared>> -> memref<10240x16xf32, #tpu.memory_space<vmem_shared>>
      tpu.wait_indirect_dma semaphore(%arg16 : memref<!tpu.dma_semaphore, #tpu.memory_space<semaphore_mem>>) src(%dma_wait3A_173 : memref<10240x16xf32, #tpu.memory_space<vmem_shared>>) dst(%arg9 : memref<80x16xf32, #tpu.memory_space<vmem>>)
      %dma_start3A_174 = arith.constant 0 : i32
      %dma_start3A_175 = tpu.memref_slice %arg8[%add3A_167, %dma_start3A_174] : memref<125x80xi32, #tpu.memory_space<vmem>> -> memref<1x80xi32, #tpu.memory_space<vmem>>
      %dma_start3A_176 = tpu.memref_squeeze %dma_start3A_175 : memref<1x80xi32, #tpu.memory_space<vmem>> -> memref<80xi32, #tpu.memory_space<vmem>>
      %dma_start3A_177 = arith.constant 0 : i32
      %dma_start3A_178 = arith.constant 0 : i32
      %dma_start3A_179 = tpu.memref_slice %arg14[%dma_start3A_177, %dma_start3A_178] : memref<10240x16xf32, #tpu.memory_space<vmem_shared>> -> memref<10240x16xf32, #tpu.memory_space<vmem_shared>>
      tpu.enqueue_indirect_dma source(%arg9 : memref<80x16xf32, #tpu.memory_space<vmem>>) target(%dma_start3A_179 : memref<10240x16xf32, #tpu.memory_space<vmem_shared>>) offsets(%dma_start3A_176 : memref<80xi32, #tpu.memory_space<vmem>>) semaphore(%arg21 : memref<!tpu.dma_semaphore, #tpu.memory_space<semaphore_mem>>) {add = true}
      %add3A_180 = arith.constant 1 : i32
      %add3A_181 = arith.addi %mul3A_165, %add3A_180 : i32
      %dma_wait3A_182 = arith.constant 0 : i32
      %dma_wait3A_183 = tpu.memref_slice %arg7[%add3A_181, %dma_wait3A_182] : memref<125x80xi32, #tpu.memory_space<vmem>> -> memref<1x80xi32, #tpu.memory_space<vmem>>
      %dma_wait3A_184 = tpu.memref_squeeze %dma_wait3A_183 : memref<1x80xi32, #tpu.memory_space<vmem>> -> memref<80xi32, #tpu.memory_space<vmem>>
      %dma_wait3A_185 = arith.constant 0 : i32
      %dma_wait3A_186 = arith.constant 0 : i32
      %dma_wait3A_187 = tpu.memref_slice %arg15[%dma_wait3A_185, %dma_wait3A_186] : memref<10240x16xf32, #tpu.memory_space<vmem_shared>> -> memref<10240x16xf32, #tpu.memory_space<vmem_shared>>
      tpu.wait_indirect_dma semaphore(%arg17 : memref<!tpu.dma_semaphore, #tpu.memory_space<semaphore_mem>>) src(%dma_wait3A_187 : memref<10240x16xf32, #tpu.memory_space<vmem_shared>>) dst(%arg10 : memref<80x16xf32, #tpu.memory_space<vmem>>)
      %dma_start3A_188 = arith.constant 0 : i32
      %dma_start3A_189 = tpu.memref_slice %arg8[%add3A_181, %dma_start3A_188] : memref<125x80xi32, #tpu.memory_space<vmem>> -> memref<1x80xi32, #tpu.memory_space<vmem>>
      %dma_start3A_190 = tpu.memref_squeeze %dma_start3A_189 : memref<1x80xi32, #tpu.memory_space<vmem>> -> memref<80xi32, #tpu.memory_space<vmem>>
      %dma_start3A_191 = arith.constant 0 : i32
      %dma_start3A_192 = arith.constant 0 : i32
      %dma_start3A_193 = tpu.memref_slice %arg14[%dma_start3A_191, %dma_start3A_192] : memref<10240x16xf32, #tpu.memory_space<vmem_shared>> -> memref<10240x16xf32, #tpu.memory_space<vmem_shared>>
      tpu.enqueue_indirect_dma source(%arg10 : memref<80x16xf32, #tpu.memory_space<vmem>>) target(%dma_start3A_193 : memref<10240x16xf32, #tpu.memory_space<vmem_shared>>) offsets(%dma_start3A_190 : memref<80xi32, #tpu.memory_space<vmem>>) semaphore(%arg22 : memref<!tpu.dma_semaphore, #tpu.memory_space<semaphore_mem>>) {add = true}
      %add3A_194 = arith.constant 2 : i32
      %add3A_195 = arith.addi %mul3A_165, %add3A_194 : i32
      %dma_wait3A_196 = arith.constant 0 : i32
      %dma_wait3A_197 = tpu.memref_slice %arg7[%add3A_195, %dma_wait3A_196] : memref<125x80xi32, #tpu.memory_space<vmem>> -> memref<1x80xi32, #tpu.memory_space<vmem>>
      %dma_wait3A_198 = tpu.memref_squeeze %dma_wait3A_197 : memref<1x80xi32, #tpu.memory_space<vmem>> -> memref<80xi32, #tpu.memory_space<vmem>>
      %dma_wait3A_199 = arith.constant 0 : i32
      %dma_wait3A_200 = arith.constant 0 : i32
      %dma_wait3A_201 = tpu.memref_slice %arg15[%dma_wait3A_199, %dma_wait3A_200] : memref<10240x16xf32, #tpu.memory_space<vmem_shared>> -> memref<10240x16xf32, #tpu.memory_space<vmem_shared>>
      tpu.wait_indirect_dma semaphore(%arg18 : memref<!tpu.dma_semaphore, #tpu.memory_space<semaphore_mem>>) src(%dma_wait3A_201 : memref<10240x16xf32, #tpu.memory_space<vmem_shared>>) dst(%arg11 : memref<80x16xf32, #tpu.memory_space<vmem>>)
      %dma_start3A_202 = arith.constant 0 : i32
      %dma_start3A_203 = tpu.memref_slice %arg8[%add3A_195, %dma_start3A_202] : memref<125x80xi32, #tpu.memory_space<vmem>> -> memref<1x80xi32, #tpu.memory_space<vmem>>
      %dma_start3A_204 = tpu.memref_squeeze %dma_start3A_203 : memref<1x80xi32, #tpu.memory_space<vmem>> -> memref<80xi32, #tpu.memory_space<vmem>>
      %dma_start3A_205 = arith.constant 0 : i32
      %dma_start3A_206 = arith.constant 0 : i32
      %dma_start3A_207 = tpu.memref_slice %arg14[%dma_start3A_205, %dma_start3A_206] : memref<10240x16xf32, #tpu.memory_space<vmem_shared>> -> memref<10240x16xf32, #tpu.memory_space<vmem_shared>>
      tpu.enqueue_indirect_dma source(%arg11 : memref<80x16xf32, #tpu.memory_space<vmem>>) target(%dma_start3A_207 : memref<10240x16xf32, #tpu.memory_space<vmem_shared>>) offsets(%dma_start3A_204 : memref<80xi32, #tpu.memory_space<vmem>>) semaphore(%arg23 : memref<!tpu.dma_semaphore, #tpu.memory_space<semaphore_mem>>) {add = true}
      %add3A_208 = arith.constant 3 : i32
      %add3A_209 = arith.addi %mul3A_165, %add3A_208 : i32
      %dma_wait3A_210 = arith.constant 0 : i32
      %dma_wait3A_211 = tpu.memref_slice %arg7[%add3A_209, %dma_wait3A_210] : memref<125x80xi32, #tpu.memory_space<vmem>> -> memref<1x80xi32, #tpu.memory_space<vmem>>
      %dma_wait3A_212 = tpu.memref_squeeze %dma_wait3A_211 : memref<1x80xi32, #tpu.memory_space<vmem>> -> memref<80xi32, #tpu.memory_space<vmem>>
      %dma_wait3A_213 = arith.constant 0 : i32
      %dma_wait3A_214 = arith.constant 0 : i32
      %dma_wait3A_215 = tpu.memref_slice %arg15[%dma_wait3A_213, %dma_wait3A_214] : memref<10240x16xf32, #tpu.memory_space<vmem_shared>> -> memref<10240x16xf32, #tpu.memory_space<vmem_shared>>
      tpu.wait_indirect_dma semaphore(%arg19 : memref<!tpu.dma_semaphore, #tpu.memory_space<semaphore_mem>>) src(%dma_wait3A_215 : memref<10240x16xf32, #tpu.memory_space<vmem_shared>>) dst(%arg12 : memref<80x16xf32, #tpu.memory_space<vmem>>)
      %dma_start3A_216 = arith.constant 0 : i32
      %dma_start3A_217 = tpu.memref_slice %arg8[%add3A_209, %dma_start3A_216] : memref<125x80xi32, #tpu.memory_space<vmem>> -> memref<1x80xi32, #tpu.memory_space<vmem>>
      %dma_start3A_218 = tpu.memref_squeeze %dma_start3A_217 : memref<1x80xi32, #tpu.memory_space<vmem>> -> memref<80xi32, #tpu.memory_space<vmem>>
      %dma_start3A_219 = arith.constant 0 : i32
      %dma_start3A_220 = arith.constant 0 : i32
      %dma_start3A_221 = tpu.memref_slice %arg14[%dma_start3A_219, %dma_start3A_220] : memref<10240x16xf32, #tpu.memory_space<vmem_shared>> -> memref<10240x16xf32, #tpu.memory_space<vmem_shared>>
      tpu.enqueue_indirect_dma source(%arg12 : memref<80x16xf32, #tpu.memory_space<vmem>>) target(%dma_start3A_221 : memref<10240x16xf32, #tpu.memory_space<vmem_shared>>) offsets(%dma_start3A_218 : memref<80xi32, #tpu.memory_space<vmem>>) semaphore(%arg24 : memref<!tpu.dma_semaphore, #tpu.memory_space<semaphore_mem>>) {add = true}
      %add3A_222 = arith.constant 4 : i32
      %add3A_223 = arith.addi %mul3A_165, %add3A_222 : i32
      %dma_wait3A_224 = arith.constant 0 : i32
      %dma_wait3A_225 = tpu.memref_slice %arg7[%add3A_223, %dma_wait3A_224] : memref<125x80xi32, #tpu.memory_space<vmem>> -> memref<1x80xi32, #tpu.memory_space<vmem>>
      %dma_wait3A_226 = tpu.memref_squeeze %dma_wait3A_225 : memref<1x80xi32, #tpu.memory_space<vmem>> -> memref<80xi32, #tpu.memory_space<vmem>>
      %dma_wait3A_227 = arith.constant 0 : i32
      %dma_wait3A_228 = arith.constant 0 : i32
      %dma_wait3A_229 = tpu.memref_slice %arg15[%dma_wait3A_227, %dma_wait3A_228] : memref<10240x16xf32, #tpu.memory_space<vmem_shared>> -> memref<10240x16xf32, #tpu.memory_space<vmem_shared>>
      tpu.wait_indirect_dma semaphore(%arg20 : memref<!tpu.dma_semaphore, #tpu.memory_space<semaphore_mem>>) src(%dma_wait3A_229 : memref<10240x16xf32, #tpu.memory_space<vmem_shared>>) dst(%arg13 : memref<80x16xf32, #tpu.memory_space<vmem>>)
      %dma_start3A_230 = arith.constant 0 : i32
      %dma_start3A_231 = tpu.memref_slice %arg8[%add3A_223, %dma_start3A_230] : memref<125x80xi32, #tpu.memory_space<vmem>> -> memref<1x80xi32, #tpu.memory_space<vmem>>
      %dma_start3A_232 = tpu.memref_squeeze %dma_start3A_231 : memref<1x80xi32, #tpu.memory_space<vmem>> -> memref<80xi32, #tpu.memory_space<vmem>>
      %dma_start3A_233 = arith.constant 0 : i32
      %dma_start3A_234 = arith.constant 0 : i32
      %dma_start3A_235 = tpu.memref_slice %arg14[%dma_start3A_233, %dma_start3A_234] : memref<10240x16xf32, #tpu.memory_space<vmem_shared>> -> memref<10240x16xf32, #tpu.memory_space<vmem_shared>>
      tpu.enqueue_indirect_dma source(%arg13 : memref<80x16xf32, #tpu.memory_space<vmem>>) target(%dma_start3A_235 : memref<10240x16xf32, #tpu.memory_space<vmem_shared>>) offsets(%dma_start3A_232 : memref<80xi32, #tpu.memory_space<vmem>>) semaphore(%arg25 : memref<!tpu.dma_semaphore, #tpu.memory_space<semaphore_mem>>) {add = true}
      %dma_wait3A_236 = arith.constant 0 : i32
      %dma_wait3A_237 = tpu.memref_slice %arg8[%add3A_167, %dma_wait3A_236] : memref<125x80xi32, #tpu.memory_space<vmem>> -> memref<1x80xi32, #tpu.memory_space<vmem>>
      %dma_wait3A_238 = tpu.memref_squeeze %dma_wait3A_237 : memref<1x80xi32, #tpu.memory_space<vmem>> -> memref<80xi32, #tpu.memory_space<vmem>>
      %dma_wait3A_239 = arith.constant 0 : i32
      %dma_wait3A_240 = arith.constant 0 : i32
      %dma_wait3A_241 = tpu.memref_slice %arg14[%dma_wait3A_239, %dma_wait3A_240] : memref<10240x16xf32, #tpu.memory_space<vmem_shared>> -> memref<10240x16xf32, #tpu.memory_space<vmem_shared>>
      tpu.wait_indirect_dma semaphore(%arg21 : memref<!tpu.dma_semaphore, #tpu.memory_space<semaphore_mem>>) src(%arg9 : memref<80x16xf32, #tpu.memory_space<vmem>>) dst(%dma_wait3A_241 : memref<10240x16xf32, #tpu.memory_space<vmem_shared>>)
      %add3A_242 = arith.constant 5 : i32
      %add3A_243 = arith.addi %mul3A_165, %add3A_242 : i32
      %add3A_244 = arith.constant 0 : i32
      %add3A_245 = arith.addi %add3A_243, %add3A_244 : i32
      %dma_start3A_246 = arith.constant 0 : i32
      %dma_start3A_247 = tpu.memref_slice %arg7[%add3A_245, %dma_start3A_246] : memref<125x80xi32, #tpu.memory_space<vmem>> -> memref<1x80xi32, #tpu.memory_space<vmem>>
      %dma_start3A_248 = tpu.memref_squeeze %dma_start3A_247 : memref<1x80xi32, #tpu.memory_space<vmem>> -> memref<80xi32, #tpu.memory_space<vmem>>
      %dma_start3A_249 = arith.constant 0 : i32
      %dma_start3A_250 = arith.constant 0 : i32
      %dma_start3A_251 = tpu.memref_slice %arg15[%dma_start3A_249, %dma_start3A_250] : memref<10240x16xf32, #tpu.memory_space<vmem_shared>> -> memref<10240x16xf32, #tpu.memory_space<vmem_shared>>
      tpu.enqueue_indirect_dma source(%dma_start3A_251 : memref<10240x16xf32, #tpu.memory_space<vmem_shared>>) target(%arg9 : memref<80x16xf32, #tpu.memory_space<vmem>>) offsets(%dma_start3A_248 : memref<80xi32, #tpu.memory_space<vmem>>) semaphore(%arg16 : memref<!tpu.dma_semaphore, #tpu.memory_space<semaphore_mem>>)
      %dma_wait3A_252 = arith.constant 0 : i32
      %dma_wait3A_253 = tpu.memref_slice %arg8[%add3A_181, %dma_wait3A_252] : memref<125x80xi32, #tpu.memory_space<vmem>> -> memref<1x80xi32, #tpu.memory_space<vmem>>
      %dma_wait3A_254 = tpu.memref_squeeze %dma_wait3A_253 : memref<1x80xi32, #tpu.memory_space<vmem>> -> memref<80xi32, #tpu.memory_space<vmem>>
      %dma_wait3A_255 = arith.constant 0 : i32
      %dma_wait3A_256 = arith.constant 0 : i32
      %dma_wait3A_257 = tpu.memref_slice %arg14[%dma_wait3A_255, %dma_wait3A_256] : memref<10240x16xf32, #tpu.memory_space<vmem_shared>> -> memref<10240x16xf32, #tpu.memory_space<vmem_shared>>
      tpu.wait_indirect_dma semaphore(%arg22 : memref<!tpu.dma_semaphore, #tpu.memory_space<semaphore_mem>>) src(%arg10 : memref<80x16xf32, #tpu.memory_space<vmem>>) dst(%dma_wait3A_257 : memref<10240x16xf32, #tpu.memory_space<vmem_shared>>)
      %add3A_258 = arith.constant 5 : i32
      %add3A_259 = arith.addi %mul3A_165, %add3A_258 : i32
      %add3A_260 = arith.constant 1 : i32
      %add3A_261 = arith.addi %add3A_259, %add3A_260 : i32
      %dma_start3A_262 = arith.constant 0 : i32
      %dma_start3A_263 = tpu.memref_slice %arg7[%add3A_261, %dma_start3A_262] : memref<125x80xi32, #tpu.memory_space<vmem>> -> memref<1x80xi32, #tpu.memory_space<vmem>>
      %dma_start3A_264 = tpu.memref_squeeze %dma_start3A_263 : memref<1x80xi32, #tpu.memory_space<vmem>> -> memref<80xi32, #tpu.memory_space<vmem>>
      %dma_start3A_265 = arith.constant 0 : i32
      %dma_start3A_266 = arith.constant 0 : i32
      %dma_start3A_267 = tpu.memref_slice %arg15[%dma_start3A_265, %dma_start3A_266] : memref<10240x16xf32, #tpu.memory_space<vmem_shared>> -> memref<10240x16xf32, #tpu.memory_space<vmem_shared>>
      tpu.enqueue_indirect_dma source(%dma_start3A_267 : memref<10240x16xf32, #tpu.memory_space<vmem_shared>>) target(%arg10 : memref<80x16xf32, #tpu.memory_space<vmem>>) offsets(%dma_start3A_264 : memref<80xi32, #tpu.memory_space<vmem>>) semaphore(%arg17 : memref<!tpu.dma_semaphore, #tpu.memory_space<semaphore_mem>>)
      %dma_wait3A_268 = arith.constant 0 : i32
      %dma_wait3A_269 = tpu.memref_slice %arg8[%add3A_195, %dma_wait3A_268] : memref<125x80xi32, #tpu.memory_space<vmem>> -> memref<1x80xi32, #tpu.memory_space<vmem>>
      %dma_wait3A_270 = tpu.memref_squeeze %dma_wait3A_269 : memref<1x80xi32, #tpu.memory_space<vmem>> -> memref<80xi32, #tpu.memory_space<vmem>>
      %dma_wait3A_271 = arith.constant 0 : i32
      %dma_wait3A_272 = arith.constant 0 : i32
      %dma_wait3A_273 = tpu.memref_slice %arg14[%dma_wait3A_271, %dma_wait3A_272] : memref<10240x16xf32, #tpu.memory_space<vmem_shared>> -> memref<10240x16xf32, #tpu.memory_space<vmem_shared>>
      tpu.wait_indirect_dma semaphore(%arg23 : memref<!tpu.dma_semaphore, #tpu.memory_space<semaphore_mem>>) src(%arg11 : memref<80x16xf32, #tpu.memory_space<vmem>>) dst(%dma_wait3A_273 : memref<10240x16xf32, #tpu.memory_space<vmem_shared>>)
      %add3A_274 = arith.constant 5 : i32
      %add3A_275 = arith.addi %mul3A_165, %add3A_274 : i32
      %add3A_276 = arith.constant 2 : i32
      %add3A_277 = arith.addi %add3A_275, %add3A_276 : i32
      %dma_start3A_278 = arith.constant 0 : i32
      %dma_start3A_279 = tpu.memref_slice %arg7[%add3A_277, %dma_start3A_278] : memref<125x80xi32, #tpu.memory_space<vmem>> -> memref<1x80xi32, #tpu.memory_space<vmem>>
      %dma_start3A_280 = tpu.memref_squeeze %dma_start3A_279 : memref<1x80xi32, #tpu.memory_space<vmem>> -> memref<80xi32, #tpu.memory_space<vmem>>
      %dma_start3A_281 = arith.constant 0 : i32
      %dma_start3A_282 = arith.constant 0 : i32
      %dma_start3A_283 = tpu.memref_slice %arg15[%dma_start3A_281, %dma_start3A_282] : memref<10240x16xf32, #tpu.memory_space<vmem_shared>> -> memref<10240x16xf32, #tpu.memory_space<vmem_shared>>
      tpu.enqueue_indirect_dma source(%dma_start3A_283 : memref<10240x16xf32, #tpu.memory_space<vmem_shared>>) target(%arg11 : memref<80x16xf32, #tpu.memory_space<vmem>>) offsets(%dma_start3A_280 : memref<80xi32, #tpu.memory_space<vmem>>) semaphore(%arg18 : memref<!tpu.dma_semaphore, #tpu.memory_space<semaphore_mem>>)
      %dma_wait3A_284 = arith.constant 0 : i32
      %dma_wait3A_285 = tpu.memref_slice %arg8[%add3A_209, %dma_wait3A_284] : memref<125x80xi32, #tpu.memory_space<vmem>> -> memref<1x80xi32, #tpu.memory_space<vmem>>
      %dma_wait3A_286 = tpu.memref_squeeze %dma_wait3A_285 : memref<1x80xi32, #tpu.memory_space<vmem>> -> memref<80xi32, #tpu.memory_space<vmem>>
      %dma_wait3A_287 = arith.constant 0 : i32
      %dma_wait3A_288 = arith.constant 0 : i32
      %dma_wait3A_289 = tpu.memref_slice %arg14[%dma_wait3A_287, %dma_wait3A_288] : memref<10240x16xf32, #tpu.memory_space<vmem_shared>> -> memref<10240x16xf32, #tpu.memory_space<vmem_shared>>
      tpu.wait_indirect_dma semaphore(%arg24 : memref<!tpu.dma_semaphore, #tpu.memory_space<semaphore_mem>>) src(%arg12 : memref<80x16xf32, #tpu.memory_space<vmem>>) dst(%dma_wait3A_289 : memref<10240x16xf32, #tpu.memory_space<vmem_shared>>)
      %add3A_290 = arith.constant 5 : i32
      %add3A_291 = arith.addi %mul3A_165, %add3A_290 : i32
      %add3A_292 = arith.constant 3 : i32
      %add3A_293 = arith.addi %add3A_291, %add3A_292 : i32
      %dma_start3A_294 = arith.constant 0 : i32
      %dma_start3A_295 = tpu.memref_slice %arg7[%add3A_293, %dma_start3A_294] : memref<125x80xi32, #tpu.memory_space<vmem>> -> memref<1x80xi32, #tpu.memory_space<vmem>>
      %dma_start3A_296 = tpu.memref_squeeze %dma_start3A_295 : memref<1x80xi32, #tpu.memory_space<vmem>> -> memref<80xi32, #tpu.memory_space<vmem>>
      %dma_start3A_297 = arith.constant 0 : i32
      %dma_start3A_298 = arith.constant 0 : i32
      %dma_start3A_299 = tpu.memref_slice %arg15[%dma_start3A_297, %dma_start3A_298] : memref<10240x16xf32, #tpu.memory_space<vmem_shared>> -> memref<10240x16xf32, #tpu.memory_space<vmem_shared>>
      tpu.enqueue_indirect_dma source(%dma_start3A_299 : memref<10240x16xf32, #tpu.memory_space<vmem_shared>>) target(%arg12 : memref<80x16xf32, #tpu.memory_space<vmem>>) offsets(%dma_start3A_296 : memref<80xi32, #tpu.memory_space<vmem>>) semaphore(%arg19 : memref<!tpu.dma_semaphore, #tpu.memory_space<semaphore_mem>>)
      %dma_wait3A_300 = arith.constant 0 : i32
      %dma_wait3A_301 = tpu.memref_slice %arg8[%add3A_223, %dma_wait3A_300] : memref<125x80xi32, #tpu.memory_space<vmem>> -> memref<1x80xi32, #tpu.memory_space<vmem>>
      %dma_wait3A_302 = tpu.memref_squeeze %dma_wait3A_301 : memref<1x80xi32, #tpu.memory_space<vmem>> -> memref<80xi32, #tpu.memory_space<vmem>>
      %dma_wait3A_303 = arith.constant 0 : i32
      %dma_wait3A_304 = arith.constant 0 : i32
      %dma_wait3A_305 = tpu.memref_slice %arg14[%dma_wait3A_303, %dma_wait3A_304] : memref<10240x16xf32, #tpu.memory_space<vmem_shared>> -> memref<10240x16xf32, #tpu.memory_space<vmem_shared>>
      tpu.wait_indirect_dma semaphore(%arg25 : memref<!tpu.dma_semaphore, #tpu.memory_space<semaphore_mem>>) src(%arg13 : memref<80x16xf32, #tpu.memory_space<vmem>>) dst(%dma_wait3A_305 : memref<10240x16xf32, #tpu.memory_space<vmem_shared>>)
      %add3A_306 = arith.constant 5 : i32
      %add3A_307 = arith.addi %mul3A_165, %add3A_306 : i32
      %add3A_308 = arith.constant 4 : i32
      %add3A_309 = arith.addi %add3A_307, %add3A_308 : i32
      %dma_start3A_310 = arith.constant 0 : i32
      %dma_start3A_311 = tpu.memref_slice %arg7[%add3A_309, %dma_start3A_310] : memref<125x80xi32, #tpu.memory_space<vmem>> -> memref<1x80xi32, #tpu.memory_space<vmem>>
      %dma_start3A_312 = tpu.memref_squeeze %dma_start3A_311 : memref<1x80xi32, #tpu.memory_space<vmem>> -> memref<80xi32, #tpu.memory_space<vmem>>
      %dma_start3A_313 = arith.constant 0 : i32
      %dma_start3A_314 = arith.constant 0 : i32
      %dma_start3A_315 = tpu.memref_slice %arg15[%dma_start3A_313, %dma_start3A_314] : memref<10240x16xf32, #tpu.memory_space<vmem_shared>> -> memref<10240x16xf32, #tpu.memory_space<vmem_shared>>
      tpu.enqueue_indirect_dma source(%dma_start3A_315 : memref<10240x16xf32, #tpu.memory_space<vmem_shared>>) target(%arg13 : memref<80x16xf32, #tpu.memory_space<vmem>>) offsets(%dma_start3A_312 : memref<80xi32, #tpu.memory_space<vmem>>) semaphore(%arg20 : memref<!tpu.dma_semaphore, #tpu.memory_space<semaphore_mem>>)
      %scan3A_316 = arith.constant 0 : i32
      scf.yield %scan3A_316 : i32
    }
    %scan3A_49 = arith.constant 24 : i32
    %dma_wait3A = arith.constant 120 : i32
    %dma_wait3A_50 = arith.constant 0 : i32
    %dma_wait3A_51 = tpu.memref_slice %arg7[%dma_wait3A, %dma_wait3A_50] : memref<125x80xi32, #tpu.memory_space<vmem>> -> memref<1x80xi32, #tpu.memory_space<vmem>>
    %dma_wait3A_52 = tpu.memref_squeeze %dma_wait3A_51 : memref<1x80xi32, #tpu.memory_space<vmem>> -> memref<80xi32, #tpu.memory_space<vmem>>
    %dma_wait3A_53 = arith.constant 0 : i32
    %dma_wait3A_54 = arith.constant 0 : i32
    %dma_wait3A_55 = tpu.memref_slice %arg15[%dma_wait3A_53, %dma_wait3A_54] : memref<10240x16xf32, #tpu.memory_space<vmem_shared>> -> memref<10240x16xf32, #tpu.memory_space<vmem_shared>>
    tpu.wait_indirect_dma semaphore(%arg16 : memref<!tpu.dma_semaphore, #tpu.memory_space<semaphore_mem>>) src(%dma_wait3A_55 : memref<10240x16xf32, #tpu.memory_space<vmem_shared>>) dst(%arg9 : memref<80x16xf32, #tpu.memory_space<vmem>>)
    %dma_start3A_56 = arith.constant 120 : i32
    %dma_start3A_57 = arith.constant 0 : i32
    %dma_start3A_58 = tpu.memref_slice %arg8[%dma_start3A_56, %dma_start3A_57] : memref<125x80xi32, #tpu.memory_space<vmem>> -> memref<1x80xi32, #tpu.memory_space<vmem>>
    %dma_start3A_59 = tpu.memref_squeeze %dma_start3A_58 : memref<1x80xi32, #tpu.memory_space<vmem>> -> memref<80xi32, #tpu.memory_space<vmem>>
    %dma_start3A_60 = arith.constant 0 : i32
    %dma_start3A_61 = arith.constant 0 : i32
    %dma_start3A_62 = tpu.memref_slice %arg14[%dma_start3A_60, %dma_start3A_61] : memref<10240x16xf32, #tpu.memory_space<vmem_shared>> -> memref<10240x16xf32, #tpu.memory_space<vmem_shared>>
    tpu.enqueue_indirect_dma source(%arg9 : memref<80x16xf32, #tpu.memory_space<vmem>>) target(%dma_start3A_62 : memref<10240x16xf32, #tpu.memory_space<vmem_shared>>) offsets(%dma_start3A_59 : memref<80xi32, #tpu.memory_space<vmem>>) semaphore(%arg21 : memref<!tpu.dma_semaphore, #tpu.memory_space<semaphore_mem>>) {add = true}
    %dma_wait3A_63 = arith.constant 121 : i32
    %dma_wait3A_64 = arith.constant 0 : i32
    %dma_wait3A_65 = tpu.memref_slice %arg7[%dma_wait3A_63, %dma_wait3A_64] : memref<125x80xi32, #tpu.memory_space<vmem>> -> memref<1x80xi32, #tpu.memory_space<vmem>>
    %dma_wait3A_66 = tpu.memref_squeeze %dma_wait3A_65 : memref<1x80xi32, #tpu.memory_space<vmem>> -> memref<80xi32, #tpu.memory_space<vmem>>
    %dma_wait3A_67 = arith.constant 0 : i32
    %dma_wait3A_68 = arith.constant 0 : i32
    %dma_wait3A_69 = tpu.memref_slice %arg15[%dma_wait3A_67, %dma_wait3A_68] : memref<10240x16xf32, #tpu.memory_space<vmem_shared>> -> memref<10240x16xf32, #tpu.memory_space<vmem_shared>>
    tpu.wait_indirect_dma semaphore(%arg17 : memref<!tpu.dma_semaphore, #tpu.memory_space<semaphore_mem>>) src(%dma_wait3A_69 : memref<10240x16xf32, #tpu.memory_space<vmem_shared>>) dst(%arg10 : memref<80x16xf32, #tpu.memory_space<vmem>>)
    %dma_start3A_70 = arith.constant 121 : i32
    %dma_start3A_71 = arith.constant 0 : i32
    %dma_start3A_72 = tpu.memref_slice %arg8[%dma_start3A_70, %dma_start3A_71] : memref<125x80xi32, #tpu.memory_space<vmem>> -> memref<1x80xi32, #tpu.memory_space<vmem>>
    %dma_start3A_73 = tpu.memref_squeeze %dma_start3A_72 : memref<1x80xi32, #tpu.memory_space<vmem>> -> memref<80xi32, #tpu.memory_space<vmem>>
    %dma_start3A_74 = arith.constant 0 : i32
    %dma_start3A_75 = arith.constant 0 : i32
    %dma_start3A_76 = tpu.memref_slice %arg14[%dma_start3A_74, %dma_start3A_75] : memref<10240x16xf32, #tpu.memory_space<vmem_shared>> -> memref<10240x16xf32, #tpu.memory_space<vmem_shared>>
    tpu.enqueue_indirect_dma source(%arg10 : memref<80x16xf32, #tpu.memory_space<vmem>>) target(%dma_start3A_76 : memref<10240x16xf32, #tpu.memory_space<vmem_shared>>) offsets(%dma_start3A_73 : memref<80xi32, #tpu.memory_space<vmem>>) semaphore(%arg22 : memref<!tpu.dma_semaphore, #tpu.memory_space<semaphore_mem>>) {add = true}
    %dma_wait3A_77 = arith.constant 122 : i32
    %dma_wait3A_78 = arith.constant 0 : i32
    %dma_wait3A_79 = tpu.memref_slice %arg7[%dma_wait3A_77, %dma_wait3A_78] : memref<125x80xi32, #tpu.memory_space<vmem>> -> memref<1x80xi32, #tpu.memory_space<vmem>>
    %dma_wait3A_80 = tpu.memref_squeeze %dma_wait3A_79 : memref<1x80xi32, #tpu.memory_space<vmem>> -> memref<80xi32, #tpu.memory_space<vmem>>
    %dma_wait3A_81 = arith.constant 0 : i32
    %dma_wait3A_82 = arith.constant 0 : i32
    %dma_wait3A_83 = tpu.memref_slice %arg15[%dma_wait3A_81, %dma_wait3A_82] : memref<10240x16xf32, #tpu.memory_space<vmem_shared>> -> memref<10240x16xf32, #tpu.memory_space<vmem_shared>>
    tpu.wait_indirect_dma semaphore(%arg18 : memref<!tpu.dma_semaphore, #tpu.memory_space<semaphore_mem>>) src(%dma_wait3A_83 : memref<10240x16xf32, #tpu.memory_space<vmem_shared>>) dst(%arg11 : memref<80x16xf32, #tpu.memory_space<vmem>>)
    %dma_start3A_84 = arith.constant 122 : i32
    %dma_start3A_85 = arith.constant 0 : i32
    %dma_start3A_86 = tpu.memref_slice %arg8[%dma_start3A_84, %dma_start3A_85] : memref<125x80xi32, #tpu.memory_space<vmem>> -> memref<1x80xi32, #tpu.memory_space<vmem>>
    %dma_start3A_87 = tpu.memref_squeeze %dma_start3A_86 : memref<1x80xi32, #tpu.memory_space<vmem>> -> memref<80xi32, #tpu.memory_space<vmem>>
    %dma_start3A_88 = arith.constant 0 : i32
    %dma_start3A_89 = arith.constant 0 : i32
    %dma_start3A_90 = tpu.memref_slice %arg14[%dma_start3A_88, %dma_start3A_89] : memref<10240x16xf32, #tpu.memory_space<vmem_shared>> -> memref<10240x16xf32, #tpu.memory_space<vmem_shared>>
    tpu.enqueue_indirect_dma source(%arg11 : memref<80x16xf32, #tpu.memory_space<vmem>>) target(%dma_start3A_90 : memref<10240x16xf32, #tpu.memory_space<vmem_shared>>) offsets(%dma_start3A_87 : memref<80xi32, #tpu.memory_space<vmem>>) semaphore(%arg23 : memref<!tpu.dma_semaphore, #tpu.memory_space<semaphore_mem>>) {add = true}
    %dma_wait3A_91 = arith.constant 123 : i32
    %dma_wait3A_92 = arith.constant 0 : i32
    %dma_wait3A_93 = tpu.memref_slice %arg7[%dma_wait3A_91, %dma_wait3A_92] : memref<125x80xi32, #tpu.memory_space<vmem>> -> memref<1x80xi32, #tpu.memory_space<vmem>>
    %dma_wait3A_94 = tpu.memref_squeeze %dma_wait3A_93 : memref<1x80xi32, #tpu.memory_space<vmem>> -> memref<80xi32, #tpu.memory_space<vmem>>
    %dma_wait3A_95 = arith.constant 0 : i32
    %dma_wait3A_96 = arith.constant 0 : i32
    %dma_wait3A_97 = tpu.memref_slice %arg15[%dma_wait3A_95, %dma_wait3A_96] : memref<10240x16xf32, #tpu.memory_space<vmem_shared>> -> memref<10240x16xf32, #tpu.memory_space<vmem_shared>>
    tpu.wait_indirect_dma semaphore(%arg19 : memref<!tpu.dma_semaphore, #tpu.memory_space<semaphore_mem>>) src(%dma_wait3A_97 : memref<10240x16xf32, #tpu.memory_space<vmem_shared>>) dst(%arg12 : memref<80x16xf32, #tpu.memory_space<vmem>>)
    %dma_start3A_98 = arith.constant 123 : i32
    %dma_start3A_99 = arith.constant 0 : i32
    %dma_start3A_100 = tpu.memref_slice %arg8[%dma_start3A_98, %dma_start3A_99] : memref<125x80xi32, #tpu.memory_space<vmem>> -> memref<1x80xi32, #tpu.memory_space<vmem>>
    %dma_start3A_101 = tpu.memref_squeeze %dma_start3A_100 : memref<1x80xi32, #tpu.memory_space<vmem>> -> memref<80xi32, #tpu.memory_space<vmem>>
    %dma_start3A_102 = arith.constant 0 : i32
    %dma_start3A_103 = arith.constant 0 : i32
    %dma_start3A_104 = tpu.memref_slice %arg14[%dma_start3A_102, %dma_start3A_103] : memref<10240x16xf32, #tpu.memory_space<vmem_shared>> -> memref<10240x16xf32, #tpu.memory_space<vmem_shared>>
    tpu.enqueue_indirect_dma source(%arg12 : memref<80x16xf32, #tpu.memory_space<vmem>>) target(%dma_start3A_104 : memref<10240x16xf32, #tpu.memory_space<vmem_shared>>) offsets(%dma_start3A_101 : memref<80xi32, #tpu.memory_space<vmem>>) semaphore(%arg24 : memref<!tpu.dma_semaphore, #tpu.memory_space<semaphore_mem>>) {add = true}
    %dma_wait3A_105 = arith.constant 124 : i32
    %dma_wait3A_106 = arith.constant 0 : i32
    %dma_wait3A_107 = tpu.memref_slice %arg7[%dma_wait3A_105, %dma_wait3A_106] : memref<125x80xi32, #tpu.memory_space<vmem>> -> memref<1x80xi32, #tpu.memory_space<vmem>>
    %dma_wait3A_108 = tpu.memref_squeeze %dma_wait3A_107 : memref<1x80xi32, #tpu.memory_space<vmem>> -> memref<80xi32, #tpu.memory_space<vmem>>
    %dma_wait3A_109 = arith.constant 0 : i32
    %dma_wait3A_110 = arith.constant 0 : i32
    %dma_wait3A_111 = tpu.memref_slice %arg15[%dma_wait3A_109, %dma_wait3A_110] : memref<10240x16xf32, #tpu.memory_space<vmem_shared>> -> memref<10240x16xf32, #tpu.memory_space<vmem_shared>>
    tpu.wait_indirect_dma semaphore(%arg20 : memref<!tpu.dma_semaphore, #tpu.memory_space<semaphore_mem>>) src(%dma_wait3A_111 : memref<10240x16xf32, #tpu.memory_space<vmem_shared>>) dst(%arg13 : memref<80x16xf32, #tpu.memory_space<vmem>>)
    %dma_start3A_112 = arith.constant 124 : i32
    %dma_start3A_113 = arith.constant 0 : i32
    %dma_start3A_114 = tpu.memref_slice %arg8[%dma_start3A_112, %dma_start3A_113] : memref<125x80xi32, #tpu.memory_space<vmem>> -> memref<1x80xi32, #tpu.memory_space<vmem>>
    %dma_start3A_115 = tpu.memref_squeeze %dma_start3A_114 : memref<1x80xi32, #tpu.memory_space<vmem>> -> memref<80xi32, #tpu.memory_space<vmem>>
    %dma_start3A_116 = arith.constant 0 : i32
    %dma_start3A_117 = arith.constant 0 : i32
    %dma_start3A_118 = tpu.memref_slice %arg14[%dma_start3A_116, %dma_start3A_117] : memref<10240x16xf32, #tpu.memory_space<vmem_shared>> -> memref<10240x16xf32, #tpu.memory_space<vmem_shared>>
    tpu.enqueue_indirect_dma source(%arg13 : memref<80x16xf32, #tpu.memory_space<vmem>>) target(%dma_start3A_118 : memref<10240x16xf32, #tpu.memory_space<vmem_shared>>) offsets(%dma_start3A_115 : memref<80xi32, #tpu.memory_space<vmem>>) semaphore(%arg25 : memref<!tpu.dma_semaphore, #tpu.memory_space<semaphore_mem>>) {add = true}
    %dma_wait3A_119 = arith.constant 120 : i32
    %dma_wait3A_120 = arith.constant 0 : i32
    %dma_wait3A_121 = tpu.memref_slice %arg8[%dma_wait3A_119, %dma_wait3A_120] : memref<125x80xi32, #tpu.memory_space<vmem>> -> memref<1x80xi32, #tpu.memory_space<vmem>>
    %dma_wait3A_122 = tpu.memref_squeeze %dma_wait3A_121 : memref<1x80xi32, #tpu.memory_space<vmem>> -> memref<80xi32, #tpu.memory_space<vmem>>
    %dma_wait3A_123 = arith.constant 0 : i32
    %dma_wait3A_124 = arith.constant 0 : i32
    %dma_wait3A_125 = tpu.memref_slice %arg14[%dma_wait3A_123, %dma_wait3A_124] : memref<10240x16xf32, #tpu.memory_space<vmem_shared>> -> memref<10240x16xf32, #tpu.memory_space<vmem_shared>>
    tpu.wait_indirect_dma semaphore(%arg21 : memref<!tpu.dma_semaphore, #tpu.memory_space<semaphore_mem>>) src(%arg9 : memref<80x16xf32, #tpu.memory_space<vmem>>) dst(%dma_wait3A_125 : memref<10240x16xf32, #tpu.memory_space<vmem_shared>>)
    %dma_wait3A_126 = arith.constant 121 : i32
    %dma_wait3A_127 = arith.constant 0 : i32
    %dma_wait3A_128 = tpu.memref_slice %arg8[%dma_wait3A_126, %dma_wait3A_127] : memref<125x80xi32, #tpu.memory_space<vmem>> -> memref<1x80xi32, #tpu.memory_space<vmem>>
    %dma_wait3A_129 = tpu.memref_squeeze %dma_wait3A_128 : memref<1x80xi32, #tpu.memory_space<vmem>> -> memref<80xi32, #tpu.memory_space<vmem>>
    %dma_wait3A_130 = arith.constant 0 : i32
    %dma_wait3A_131 = arith.constant 0 : i32
    %dma_wait3A_132 = tpu.memref_slice %arg14[%dma_wait3A_130, %dma_wait3A_131] : memref<10240x16xf32, #tpu.memory_space<vmem_shared>> -> memref<10240x16xf32, #tpu.memory_space<vmem_shared>>
    tpu.wait_indirect_dma semaphore(%arg22 : memref<!tpu.dma_semaphore, #tpu.memory_space<semaphore_mem>>) src(%arg10 : memref<80x16xf32, #tpu.memory_space<vmem>>) dst(%dma_wait3A_132 : memref<10240x16xf32, #tpu.memory_space<vmem_shared>>)
    %dma_wait3A_133 = arith.constant 122 : i32
    %dma_wait3A_134 = arith.constant 0 : i32
    %dma_wait3A_135 = tpu.memref_slice %arg8[%dma_wait3A_133, %dma_wait3A_134] : memref<125x80xi32, #tpu.memory_space<vmem>> -> memref<1x80xi32, #tpu.memory_space<vmem>>
    %dma_wait3A_136 = tpu.memref_squeeze %dma_wait3A_135 : memref<1x80xi32, #tpu.memory_space<vmem>> -> memref<80xi32, #tpu.memory_space<vmem>>
    %dma_wait3A_137 = arith.constant 0 : i32
    %dma_wait3A_138 = arith.constant 0 : i32
    %dma_wait3A_139 = tpu.memref_slice %arg14[%dma_wait3A_137, %dma_wait3A_138] : memref<10240x16xf32, #tpu.memory_space<vmem_shared>> -> memref<10240x16xf32, #tpu.memory_space<vmem_shared>>
    tpu.wait_indirect_dma semaphore(%arg23 : memref<!tpu.dma_semaphore, #tpu.memory_space<semaphore_mem>>) src(%arg11 : memref<80x16xf32, #tpu.memory_space<vmem>>) dst(%dma_wait3A_139 : memref<10240x16xf32, #tpu.memory_space<vmem_shared>>)
    %dma_wait3A_140 = arith.constant 123 : i32
    %dma_wait3A_141 = arith.constant 0 : i32
    %dma_wait3A_142 = tpu.memref_slice %arg8[%dma_wait3A_140, %dma_wait3A_141] : memref<125x80xi32, #tpu.memory_space<vmem>> -> memref<1x80xi32, #tpu.memory_space<vmem>>
    %dma_wait3A_143 = tpu.memref_squeeze %dma_wait3A_142 : memref<1x80xi32, #tpu.memory_space<vmem>> -> memref<80xi32, #tpu.memory_space<vmem>>
    %dma_wait3A_144 = arith.constant 0 : i32
    %dma_wait3A_145 = arith.constant 0 : i32
    %dma_wait3A_146 = tpu.memref_slice %arg14[%dma_wait3A_144, %dma_wait3A_145] : memref<10240x16xf32, #tpu.memory_space<vmem_shared>> -> memref<10240x16xf32, #tpu.memory_space<vmem_shared>>
    tpu.wait_indirect_dma semaphore(%arg24 : memref<!tpu.dma_semaphore, #tpu.memory_space<semaphore_mem>>) src(%arg12 : memref<80x16xf32, #tpu.memory_space<vmem>>) dst(%dma_wait3A_146 : memref<10240x16xf32, #tpu.memory_space<vmem_shared>>)
    %dma_wait3A_147 = arith.constant 124 : i32
    %dma_wait3A_148 = arith.constant 0 : i32
    %dma_wait3A_149 = tpu.memref_slice %arg8[%dma_wait3A_147, %dma_wait3A_148] : memref<125x80xi32, #tpu.memory_space<vmem>> -> memref<1x80xi32, #tpu.memory_space<vmem>>
    %dma_wait3A_150 = tpu.memref_squeeze %dma_wait3A_149 : memref<1x80xi32, #tpu.memory_space<vmem>> -> memref<80xi32, #tpu.memory_space<vmem>>
    %dma_wait3A_151 = arith.constant 0 : i32
    %dma_wait3A_152 = arith.constant 0 : i32
    %dma_wait3A_153 = tpu.memref_slice %arg14[%dma_wait3A_151, %dma_wait3A_152] : memref<10240x16xf32, #tpu.memory_space<vmem_shared>> -> memref<10240x16xf32, #tpu.memory_space<vmem_shared>>
    tpu.wait_indirect_dma semaphore(%arg25 : memref<!tpu.dma_semaphore, #tpu.memory_space<semaphore_mem>>) src(%arg13 : memref<80x16xf32, #tpu.memory_space<vmem>>) dst(%dma_wait3A_153 : memref<10240x16xf32, #tpu.memory_space<vmem_shared>>)
    %barrier3A_154 = arith.constant 0 : index
    tpu.barrier barrier_id(%barrier3A_154)
    %eq3A = arith.constant 0 : i32
    %eq3A_155 = arith.cmpi eq, %arg0, %eq3A : i32
    %convert_element_type3A = arith.extui %eq3A_155 : i1 to i32
    %cond3A = arith.constant 0 : i32
    %cond3A_156 = arith.cmpi ne, %convert_element_type3A, %cond3A : i32
    scf.if %cond3A_156 {
      %mul3A_162 = arith.constant 640 : i32
      %mul3A_163 = arith.muli %arg1, %mul3A_162 : i32
      %mul3A_164 = arith.constant 640 : i32
      %mul3A_165 = arith.muli %arg1, %mul3A_164 : i32
      "tpu.region"() ({
        %run_scoped3A_166 = tpu.sem_alloc : memref<!tpu.dma_semaphore, #tpu.memory_space<semaphore_mem>>
        %dma_start3A_167 = arith.constant 0 : i32
        %dma_start3A_168 = tpu.memref_slice %arg5[%mul3A_165, %dma_start3A_167] : memref<10240x16xf32, #tpu.memory_space<hbm>> -> memref<640x16xf32, #tpu.memory_space<hbm>>
        %dma_start3A_169 = arith.constant 0 : i32
        %dma_start3A_170 = tpu.memref_slice %arg14[%mul3A_163, %dma_start3A_169] : memref<10240x16xf32, #tpu.memory_space<vmem_shared>> -> memref<640x16xf32, #tpu.memory_space<vmem_shared>>
        tpu.enqueue_dma source(%dma_start3A_170 : memref<640x16xf32, #tpu.memory_space<vmem_shared>>) target(%dma_start3A_168 : memref<640x16xf32, #tpu.memory_space<hbm>>) target_semaphore(%run_scoped3A_166 : memref<!tpu.dma_semaphore, #tpu.memory_space<semaphore_mem>>)
        %dma_wait3A_171 = arith.constant 0 : i32
        %dma_wait3A_172 = tpu.memref_slice %arg5[%mul3A_165, %dma_wait3A_171] : memref<10240x16xf32, #tpu.memory_space<hbm>> -> memref<640x16xf32, #tpu.memory_space<hbm>>
        %dma_wait3A_173 = arith.constant 0 : i32
        %dma_wait3A_174 = tpu.memref_slice %arg14[%mul3A_163, %dma_wait3A_173] : memref<10240x16xf32, #tpu.memory_space<vmem_shared>> -> memref<640x16xf32, #tpu.memory_space<vmem_shared>>
        tpu.wait_dma2 semaphore(%run_scoped3A_166 : memref<!tpu.dma_semaphore, #tpu.memory_space<semaphore_mem>>) src(%dma_wait3A_174 : memref<640x16xf32, #tpu.memory_space<vmem_shared>>) dst(%dma_wait3A_172 : memref<640x16xf32, #tpu.memory_space<hbm>>)
        tpu.yield
      }) : () -> ()
    } else {
    }
    %eq3A_157 = arith.constant 1 : i32
    %eq3A_158 = arith.cmpi eq, %arg0, %eq3A_157 : i32
    %convert_element_type3A_159 = arith.extui %eq3A_158 : i1 to i32
    %cond3A_160 = arith.constant 0 : i32
    %cond3A_161 = arith.cmpi ne, %convert_element_type3A_159, %cond3A_160 : i32
    scf.if %cond3A_161 {
      %mul3A_162 = arith.constant 640 : i32
      %mul3A_163 = arith.muli %arg1, %mul3A_162 : i32
      %mul3A_164 = arith.constant 640 : i32
      %mul3A_165 = arith.muli %arg1, %mul3A_164 : i32
      "tpu.region"() ({
        %run_scoped3A_166 = tpu.sem_alloc : memref<!tpu.dma_semaphore, #tpu.memory_space<semaphore_mem>>
        %dma_start3A_167 = arith.constant 0 : i32
        %dma_start3A_168 = tpu.memref_slice %arg6[%mul3A_165, %dma_start3A_167] : memref<10240x16xf32, #tpu.memory_space<hbm>> -> memref<640x16xf32, #tpu.memory_space<hbm>>
        %dma_start3A_169 = arith.constant 0 : i32
        %dma_start3A_170 = tpu.memref_slice %arg14[%mul3A_163, %dma_start3A_169] : memref<10240x16xf32, #tpu.memory_space<vmem_shared>> -> memref<640x16xf32, #tpu.memory_space<vmem_shared>>
        tpu.enqueue_dma source(%dma_start3A_170 : memref<640x16xf32, #tpu.memory_space<vmem_shared>>) target(%dma_start3A_168 : memref<640x16xf32, #tpu.memory_space<hbm>>) target_semaphore(%run_scoped3A_166 : memref<!tpu.dma_semaphore, #tpu.memory_space<semaphore_mem>>)
        %dma_wait3A_171 = arith.constant 0 : i32
        %dma_wait3A_172 = tpu.memref_slice %arg6[%mul3A_165, %dma_wait3A_171] : memref<10240x16xf32, #tpu.memory_space<hbm>> -> memref<640x16xf32, #tpu.memory_space<hbm>>
        %dma_wait3A_173 = arith.constant 0 : i32
        %dma_wait3A_174 = tpu.memref_slice %arg14[%mul3A_163, %dma_wait3A_173] : memref<10240x16xf32, #tpu.memory_space<vmem_shared>> -> memref<640x16xf32, #tpu.memory_space<vmem_shared>>
        tpu.wait_dma2 semaphore(%run_scoped3A_166 : memref<!tpu.dma_semaphore, #tpu.memory_space<semaphore_mem>>) src(%dma_wait3A_174 : memref<640x16xf32, #tpu.memory_space<vmem_shared>>) dst(%dma_wait3A_172 : memref<640x16xf32, #tpu.memory_space<hbm>>)
        tpu.yield
      }) : () -> ()
    } else {
    }
    return
  }
}

module attributes {stable_mosaic.version = 14 : i64} {
  func.func @_proj_body(%arg0: memref<1250x8x128xf32, #tpu.memory_space<vmem>>, %arg1: memref<8x128x128xf32, #tpu.memory_space<vmem>>, %arg2: memref<1280x128xf32, #tpu.memory_space<vmem>>) attributes {dimension_semantics = [], scalar_prefetch = 0 : i64, scratch_operands = 0 : i64, tpu.core_type = #tpu.core_type<tc>} {
    %get3A = arith.constant 0 : index
    %get3A_0 = arith.constant 0 : index
    %get3A_1 = arith.constant 0 : index
    %get3A_2 = vector.load %arg0[%get3A, %get3A_0, %get3A_1] : memref<1250x8x128xf32, #tpu.memory_space<vmem>>, vector<1250x1x128xf32>
    %get3A_3 = vector.shape_cast %get3A_2 : vector<1250x1x128xf32> to vector<1250x128xf32>
    %get3A_4 = arith.constant 0 : index
    %get3A_5 = arith.constant 0 : index
    %get3A_6 = arith.constant 0 : index
    %get3A_7 = vector.load %arg1[%get3A_4, %get3A_5, %get3A_6] : memref<8x128x128xf32, #tpu.memory_space<vmem>>, vector<1x128x128xf32>
    %get3A_8 = vector.shape_cast %get3A_7 : vector<1x128x128xf32> to vector<128x128xf32>
    %dot_general3A = arith.constant dense<0.000000e+00> : vector<1250x128xf32>
    %dot_general3A_9 = tpu.matmul %get3A_3, %get3A_8, %dot_general3A {dimension_numbers = #tpu.dot_dimension_numbers<[1], [0], [0], [1], [0, 0, 1, 1], [], []>, transpose_lhs_hint = false} : vector<1250x128xf32>, vector<128x128xf32>, vector<1250x128xf32> -> vector<1250x128xf32>
    %get3A_10 = arith.constant 0 : index
    %get3A_11 = arith.constant 1 : index
    %get3A_12 = arith.constant 0 : index
    %get3A_13 = vector.load %arg0[%get3A_10, %get3A_11, %get3A_12] : memref<1250x8x128xf32, #tpu.memory_space<vmem>>, vector<1250x1x128xf32>
    %get3A_14 = vector.shape_cast %get3A_13 : vector<1250x1x128xf32> to vector<1250x128xf32>
    %get3A_15 = arith.constant 1 : index
    %get3A_16 = arith.constant 0 : index
    %get3A_17 = arith.constant 0 : index
    %get3A_18 = vector.load %arg1[%get3A_15, %get3A_16, %get3A_17] : memref<8x128x128xf32, #tpu.memory_space<vmem>>, vector<1x128x128xf32>
    %get3A_19 = vector.shape_cast %get3A_18 : vector<1x128x128xf32> to vector<128x128xf32>
    %dot_general3A_20 = arith.constant dense<0.000000e+00> : vector<1250x128xf32>
    %dot_general3A_21 = tpu.matmul %get3A_14, %get3A_19, %dot_general3A_20 {dimension_numbers = #tpu.dot_dimension_numbers<[1], [0], [0], [1], [0, 0, 1, 1], [], []>, transpose_lhs_hint = false} : vector<1250x128xf32>, vector<128x128xf32>, vector<1250x128xf32> -> vector<1250x128xf32>
    %add3A = arith.addf %dot_general3A_9, %dot_general3A_21 : vector<1250x128xf32>
    %get3A_22 = arith.constant 0 : index
    %get3A_23 = arith.constant 2 : index
    %get3A_24 = arith.constant 0 : index
    %get3A_25 = vector.load %arg0[%get3A_22, %get3A_23, %get3A_24] : memref<1250x8x128xf32, #tpu.memory_space<vmem>>, vector<1250x1x128xf32>
    %get3A_26 = vector.shape_cast %get3A_25 : vector<1250x1x128xf32> to vector<1250x128xf32>
    %get3A_27 = arith.constant 2 : index
    %get3A_28 = arith.constant 0 : index
    %get3A_29 = arith.constant 0 : index
    %get3A_30 = vector.load %arg1[%get3A_27, %get3A_28, %get3A_29] : memref<8x128x128xf32, #tpu.memory_space<vmem>>, vector<1x128x128xf32>
    %get3A_31 = vector.shape_cast %get3A_30 : vector<1x128x128xf32> to vector<128x128xf32>
    %dot_general3A_32 = arith.constant dense<0.000000e+00> : vector<1250x128xf32>
    %dot_general3A_33 = tpu.matmul %get3A_26, %get3A_31, %dot_general3A_32 {dimension_numbers = #tpu.dot_dimension_numbers<[1], [0], [0], [1], [0, 0, 1, 1], [], []>, transpose_lhs_hint = false} : vector<1250x128xf32>, vector<128x128xf32>, vector<1250x128xf32> -> vector<1250x128xf32>
    %add3A_34 = arith.addf %add3A, %dot_general3A_33 : vector<1250x128xf32>
    %get3A_35 = arith.constant 0 : index
    %get3A_36 = arith.constant 3 : index
    %get3A_37 = arith.constant 0 : index
    %get3A_38 = vector.load %arg0[%get3A_35, %get3A_36, %get3A_37] : memref<1250x8x128xf32, #tpu.memory_space<vmem>>, vector<1250x1x128xf32>
    %get3A_39 = vector.shape_cast %get3A_38 : vector<1250x1x128xf32> to vector<1250x128xf32>
    %get3A_40 = arith.constant 3 : index
    %get3A_41 = arith.constant 0 : index
    %get3A_42 = arith.constant 0 : index
    %get3A_43 = vector.load %arg1[%get3A_40, %get3A_41, %get3A_42] : memref<8x128x128xf32, #tpu.memory_space<vmem>>, vector<1x128x128xf32>
    %get3A_44 = vector.shape_cast %get3A_43 : vector<1x128x128xf32> to vector<128x128xf32>
    %dot_general3A_45 = arith.constant dense<0.000000e+00> : vector<1250x128xf32>
    %dot_general3A_46 = tpu.matmul %get3A_39, %get3A_44, %dot_general3A_45 {dimension_numbers = #tpu.dot_dimension_numbers<[1], [0], [0], [1], [0, 0, 1, 1], [], []>, transpose_lhs_hint = false} : vector<1250x128xf32>, vector<128x128xf32>, vector<1250x128xf32> -> vector<1250x128xf32>
    %add3A_47 = arith.addf %add3A_34, %dot_general3A_46 : vector<1250x128xf32>
    %get3A_48 = arith.constant 0 : index
    %get3A_49 = arith.constant 4 : index
    %get3A_50 = arith.constant 0 : index
    %get3A_51 = vector.load %arg0[%get3A_48, %get3A_49, %get3A_50] : memref<1250x8x128xf32, #tpu.memory_space<vmem>>, vector<1250x1x128xf32>
    %get3A_52 = vector.shape_cast %get3A_51 : vector<1250x1x128xf32> to vector<1250x128xf32>
    %get3A_53 = arith.constant 4 : index
    %get3A_54 = arith.constant 0 : index
    %get3A_55 = arith.constant 0 : index
    %get3A_56 = vector.load %arg1[%get3A_53, %get3A_54, %get3A_55] : memref<8x128x128xf32, #tpu.memory_space<vmem>>, vector<1x128x128xf32>
    %get3A_57 = vector.shape_cast %get3A_56 : vector<1x128x128xf32> to vector<128x128xf32>
    %dot_general3A_58 = arith.constant dense<0.000000e+00> : vector<1250x128xf32>
    %dot_general3A_59 = tpu.matmul %get3A_52, %get3A_57, %dot_general3A_58 {dimension_numbers = #tpu.dot_dimension_numbers<[1], [0], [0], [1], [0, 0, 1, 1], [], []>, transpose_lhs_hint = false} : vector<1250x128xf32>, vector<128x128xf32>, vector<1250x128xf32> -> vector<1250x128xf32>
    %add3A_60 = arith.addf %add3A_47, %dot_general3A_59 : vector<1250x128xf32>
    %get3A_61 = arith.constant 0 : index
    %get3A_62 = arith.constant 5 : index
    %get3A_63 = arith.constant 0 : index
    %get3A_64 = vector.load %arg0[%get3A_61, %get3A_62, %get3A_63] : memref<1250x8x128xf32, #tpu.memory_space<vmem>>, vector<1250x1x128xf32>
    %get3A_65 = vector.shape_cast %get3A_64 : vector<1250x1x128xf32> to vector<1250x128xf32>
    %get3A_66 = arith.constant 5 : index
    %get3A_67 = arith.constant 0 : index
    %get3A_68 = arith.constant 0 : index
    %get3A_69 = vector.load %arg1[%get3A_66, %get3A_67, %get3A_68] : memref<8x128x128xf32, #tpu.memory_space<vmem>>, vector<1x128x128xf32>
    %get3A_70 = vector.shape_cast %get3A_69 : vector<1x128x128xf32> to vector<128x128xf32>
    %dot_general3A_71 = arith.constant dense<0.000000e+00> : vector<1250x128xf32>
    %dot_general3A_72 = tpu.matmul %get3A_65, %get3A_70, %dot_general3A_71 {dimension_numbers = #tpu.dot_dimension_numbers<[1], [0], [0], [1], [0, 0, 1, 1], [], []>, transpose_lhs_hint = false} : vector<1250x128xf32>, vector<128x128xf32>, vector<1250x128xf32> -> vector<1250x128xf32>
    %add3A_73 = arith.addf %add3A_60, %dot_general3A_72 : vector<1250x128xf32>
    %get3A_74 = arith.constant 0 : index
    %get3A_75 = arith.constant 6 : index
    %get3A_76 = arith.constant 0 : index
    %get3A_77 = vector.load %arg0[%get3A_74, %get3A_75, %get3A_76] : memref<1250x8x128xf32, #tpu.memory_space<vmem>>, vector<1250x1x128xf32>
    %get3A_78 = vector.shape_cast %get3A_77 : vector<1250x1x128xf32> to vector<1250x128xf32>
    %get3A_79 = arith.constant 6 : index
    %get3A_80 = arith.constant 0 : index
    %get3A_81 = arith.constant 0 : index
    %get3A_82 = vector.load %arg1[%get3A_79, %get3A_80, %get3A_81] : memref<8x128x128xf32, #tpu.memory_space<vmem>>, vector<1x128x128xf32>
    %get3A_83 = vector.shape_cast %get3A_82 : vector<1x128x128xf32> to vector<128x128xf32>
    %dot_general3A_84 = arith.constant dense<0.000000e+00> : vector<1250x128xf32>
    %dot_general3A_85 = tpu.matmul %get3A_78, %get3A_83, %dot_general3A_84 {dimension_numbers = #tpu.dot_dimension_numbers<[1], [0], [0], [1], [0, 0, 1, 1], [], []>, transpose_lhs_hint = false} : vector<1250x128xf32>, vector<128x128xf32>, vector<1250x128xf32> -> vector<1250x128xf32>
    %add3A_86 = arith.addf %add3A_73, %dot_general3A_85 : vector<1250x128xf32>
    %get3A_87 = arith.constant 0 : index
    %get3A_88 = arith.constant 7 : index
    %get3A_89 = arith.constant 0 : index
    %get3A_90 = vector.load %arg0[%get3A_87, %get3A_88, %get3A_89] : memref<1250x8x128xf32, #tpu.memory_space<vmem>>, vector<1250x1x128xf32>
    %get3A_91 = vector.shape_cast %get3A_90 : vector<1250x1x128xf32> to vector<1250x128xf32>
    %get3A_92 = arith.constant 7 : index
    %get3A_93 = arith.constant 0 : index
    %get3A_94 = arith.constant 0 : index
    %get3A_95 = vector.load %arg1[%get3A_92, %get3A_93, %get3A_94] : memref<8x128x128xf32, #tpu.memory_space<vmem>>, vector<1x128x128xf32>
    %get3A_96 = vector.shape_cast %get3A_95 : vector<1x128x128xf32> to vector<128x128xf32>
    %dot_general3A_97 = arith.constant dense<0.000000e+00> : vector<1250x128xf32>
    %dot_general3A_98 = tpu.matmul %get3A_91, %get3A_96, %dot_general3A_97 {dimension_numbers = #tpu.dot_dimension_numbers<[1], [0], [0], [1], [0, 0, 1, 1], [], []>, transpose_lhs_hint = false} : vector<1250x128xf32>, vector<128x128xf32>, vector<1250x128xf32> -> vector<1250x128xf32>
    %add3A_99 = arith.addf %add3A_86, %dot_general3A_98 : vector<1250x128xf32>
    %jit3A = arith.constant 0 : i32
    %convert_element_type3A = arith.sitofp %jit3A : i32 to f32
    %pad3A = vector.broadcast %convert_element_type3A : f32 to vector<30x128xf32>
    %pad3A_100 = tpu.concatenate %add3A_99, %pad3A in 0 : vector<1250x128xf32>, vector<30x128xf32> -> vector<1280x128xf32>
    %swap3A = arith.constant 0 : index
    %swap3A_101 = arith.constant 0 : index
    %swap3A_102 = vector.load %arg2[%swap3A, %swap3A_101] : memref<1280x128xf32, #tpu.memory_space<vmem>>, vector<1280x128xf32>
    tpu.vector_store %arg2[%swap3A, %swap3A_101], %pad3A_100 {strides = array<i32>} : memref<1280x128xf32, #tpu.memory_space<vmem>>, vector<1280x128xf32>,
    return
  }
}

module attributes {stable_mosaic.version = 14 : i64} {
  func.func @_mid_body(%arg0: memref<1280x128xf32, #tpu.memory_space<vmem>>, %arg1: memref<1280x128xf32, #tpu.memory_space<vmem>>, %arg2: memref<1280x128xf32, #tpu.memory_space<vmem>>, %arg3: memref<1x128xf32, #tpu.memory_space<vmem>>, %arg4: memref<1x128xf32, #tpu.memory_space<vmem>>, %arg5: memref<1x128xf32, #tpu.memory_space<vmem>>, %arg6: memref<128x128xf32, #tpu.memory_space<vmem>>, %arg7: memref<128x128xf32, #tpu.memory_space<vmem>>, %arg8: memref<128x128xf32, #tpu.memory_space<vmem>>, %arg9: memref<1280x128xf32, #tpu.memory_space<vmem>>, %arg10: memref<1280x128xf32, #tpu.memory_space<vmem>>) attributes {dimension_semantics = [], scalar_prefetch = 0 : i64, scratch_operands = 0 : i64, tpu.core_type = #tpu.core_type<tc>} {
    %get3A = arith.constant 0 : index
    %get3A_0 = arith.constant 0 : index
    %get3A_1 = vector.load %arg0[%get3A, %get3A_0] : memref<1280x128xf32, #tpu.memory_space<vmem>>, vector<1280x128xf32>
    %get3A_2 = arith.constant 0 : index
    %get3A_3 = arith.constant 0 : index
    %get3A_4 = vector.load %arg1[%get3A_2, %get3A_3] : memref<1280x128xf32, #tpu.memory_space<vmem>>, vector<1280x128xf32>
    %add3A = arith.addf %get3A_1, %get3A_4 : vector<1280x128xf32>
    %get3A_5 = arith.constant 0 : index
    %get3A_6 = arith.constant 0 : index
    %get3A_7 = vector.load %arg2[%get3A_5, %get3A_6] : memref<1280x128xf32, #tpu.memory_space<vmem>>, vector<1280x128xf32>
    %add3A_8 = arith.addf %add3A, %get3A_7 : vector<1280x128xf32>
    %get3A_9 = arith.constant 0 : index
    %get3A_10 = arith.constant 0 : index
    %get3A_11 = vector.load %arg3[%get3A_9, %get3A_10] : memref<1x128xf32, #tpu.memory_space<vmem>>, vector<1x128xf32>
    %add3A_12 = vector.broadcast %get3A_11 : vector<1x128xf32> to vector<1280x128xf32>
    %add3A_13 = arith.addf %add3A_8, %add3A_12 : vector<1280x128xf32>
    %get3A_14 = arith.constant 0 : index
    %get3A_15 = arith.constant 0 : index
    %get3A_16 = vector.load %arg4[%get3A_14, %get3A_15] : memref<1x128xf32, #tpu.memory_space<vmem>>, vector<1x128xf32>
    %get3A_17 = arith.constant 0 : index
    %get3A_18 = arith.constant 0 : index
    %get3A_19 = vector.load %arg5[%get3A_17, %get3A_18] : memref<1x128xf32, #tpu.memory_space<vmem>>, vector<1x128xf32>
    %get3A_20 = arith.constant 0 : index
    %get3A_21 = arith.constant 0 : index
    %get3A_22 = vector.load %arg6[%get3A_20, %get3A_21] : memref<128x128xf32, #tpu.memory_space<vmem>>, vector<128x128xf32>
    %iota3A = tpu.iota {dimensions = array<i32: 0>} : vector<1280x128xi32>
    %lt3A = arith.constant 1250 : i32
    %lt3A_23 = vector.broadcast %lt3A : i32 to vector<1280x128xi32>
    %lt3A_24 = arith.cmpi slt, %iota3A, %lt3A_23 : vector<1280x128xi32>
    %jit3A = arith.constant 0.000000e+00 : f32
    %broadcast_in_dim3A = vector.broadcast %jit3A : f32 to vector<1280x128xf32>
    %select_n3A = arith.select %lt3A_24, %add3A_13, %broadcast_in_dim3A : vector<1280x128xi1>, vector<1280x128xf32>
    %reduce_sum3A = arith.constant dense<0.000000e+00> : vector<128xf32>
    %reduce_sum3A_25 = vector.multi_reduction <add>, %select_n3A, %reduce_sum3A [0] : vector<1280x128xf32> to vector<128xf32>
    %broadcast_in_dim3A_26 = vector.shape_cast %reduce_sum3A_25 : vector<128xf32> to vector<1x128xf32>
    %mul3A = arith.mulf %select_n3A, %select_n3A : vector<1280x128xf32>
    %reduce_sum3A_27 = arith.constant dense<0.000000e+00> : vector<128xf32>
    %reduce_sum3A_28 = vector.multi_reduction <add>, %mul3A, %reduce_sum3A_27 [0] : vector<1280x128xf32> to vector<128xf32>
    %broadcast_in_dim3A_29 = vector.shape_cast %reduce_sum3A_28 : vector<128xf32> to vector<1x128xf32>
    %dot_general3A = arith.constant dense<0.000000e+00> : vector<1x128xf32>
    %dot_general3A_30 = tpu.matmul %broadcast_in_dim3A_26, %get3A_22, %dot_general3A {dimension_numbers = #tpu.dot_dimension_numbers<[1], [0], [0], [1], [0, 0, 1, 1], [], []>, precision = #tpu.contract_precision<fp32>, transpose_lhs_hint = false} : vector<1x128xf32>, vector<128x128xf32>, vector<1x128xf32> -> vector<1x128xf32>
    %mul3A_31 = arith.constant 9.99999974E-5 : f32
    %mul3A_32 = vector.broadcast %mul3A_31 : f32 to vector<1x128xf32>
    %mul3A_33 = arith.mulf %dot_general3A_30, %mul3A_32 : vector<1x128xf32>
    %dot_general3A_34 = arith.constant dense<0.000000e+00> : vector<1x128xf32>
    %dot_general3A_35 = tpu.matmul %broadcast_in_dim3A_29, %get3A_22, %dot_general3A_34 {dimension_numbers = #tpu.dot_dimension_numbers<[1], [0], [0], [1], [0, 0, 1, 1], [], []>, precision = #tpu.contract_precision<fp32>, transpose_lhs_hint = false} : vector<1x128xf32>, vector<128x128xf32>, vector<1x128xf32> -> vector<1x128xf32>
    %mul3A_36 = arith.constant 9.99999974E-5 : f32
    %mul3A_37 = vector.broadcast %mul3A_36 : f32 to vector<1x128xf32>
    %mul3A_38 = arith.mulf %dot_general3A_35, %mul3A_37 : vector<1x128xf32>
    %mul3A_39 = arith.mulf %mul3A_33, %mul3A_33 : vector<1x128xf32>
    %sub3A = arith.subf %mul3A_38, %mul3A_39 : vector<1x128xf32>
    %sub3A_40 = vector.broadcast %mul3A_33 : vector<1x128xf32> to vector<1280x128xf32>
    %sub3A_41 = arith.subf %add3A_13, %sub3A_40 : vector<1280x128xf32>
    %mul3A_42 = vector.broadcast %get3A_16 : vector<1x128xf32> to vector<1280x128xf32>
    %mul3A_43 = arith.mulf %mul3A_42, %sub3A_41 : vector<1280x128xf32>
    %add3A_44 = arith.constant 9.99999974E-6 : f32
    %add3A_45 = vector.broadcast %add3A_44 : f32 to vector<1x128xf32>
    %add3A_46 = arith.addf %sub3A, %add3A_45 : vector<1x128xf32>
    %rsqrt3A = math.rsqrt %add3A_46 : vector<1x128xf32>
    %mul3A_47 = vector.broadcast %rsqrt3A : vector<1x128xf32> to vector<1280x128xf32>
    %mul3A_48 = arith.mulf %mul3A_43, %mul3A_47 : vector<1280x128xf32>
    %add3A_49 = vector.broadcast %get3A_19 : vector<1x128xf32> to vector<1280x128xf32>
    %add3A_50 = arith.addf %mul3A_48, %add3A_49 : vector<1280x128xf32>
    %max3A = arith.constant 0.000000e+00 : f32
    %max3A_51 = vector.broadcast %max3A : f32 to vector<1280x128xf32>
    %max3A_52 = arith.maximumf %add3A_50, %max3A_51 : vector<1280x128xf32>
    %get3A_53 = arith.constant 0 : index
    %get3A_54 = arith.constant 0 : index
    %get3A_55 = vector.load %arg7[%get3A_53, %get3A_54] : memref<128x128xf32, #tpu.memory_space<vmem>>, vector<128x128xf32>
    %dot_general3A_56 = arith.constant dense<0.000000e+00> : vector<1280x128xf32>
    %dot_general3A_57 = tpu.matmul %max3A_52, %get3A_55, %dot_general3A_56 {dimension_numbers = #tpu.dot_dimension_numbers<[1], [0], [0], [1], [0, 0, 1, 1], [], []>, precision = #tpu.contract_precision<fp32>, transpose_lhs_hint = false} : vector<1280x128xf32>, vector<128x128xf32>, vector<1280x128xf32> -> vector<1280x128xf32>
    %swap3A = arith.constant 0 : index
    %swap3A_58 = arith.constant 0 : index
    %swap3A_59 = vector.load %arg9[%swap3A, %swap3A_58] : memref<1280x128xf32, #tpu.memory_space<vmem>>, vector<1280x128xf32>
    tpu.vector_store %arg9[%swap3A, %swap3A_58], %dot_general3A_57 {strides = array<i32>} : memref<1280x128xf32, #tpu.memory_space<vmem>>, vector<1280x128xf32>,
    %get3A_60 = arith.constant 0 : index
    %get3A_61 = arith.constant 0 : index
    %get3A_62 = vector.load %arg8[%get3A_60, %get3A_61] : memref<128x128xf32, #tpu.memory_space<vmem>>, vector<128x128xf32>
    %dot_general3A_63 = arith.constant dense<0.000000e+00> : vector<1280x128xf32>
    %dot_general3A_64 = tpu.matmul %max3A_52, %get3A_62, %dot_general3A_63 {dimension_numbers = #tpu.dot_dimension_numbers<[1], [0], [0], [1], [0, 0, 1, 1], [], []>, precision = #tpu.contract_precision<fp32>, transpose_lhs_hint = false} : vector<1280x128xf32>, vector<128x128xf32>, vector<1280x128xf32> -> vector<1280x128xf32>
    %swap3A_65 = arith.constant 0 : index
    %swap3A_66 = arith.constant 0 : index
    %swap3A_67 = vector.load %arg10[%swap3A_65, %swap3A_66] : memref<1280x128xf32, #tpu.memory_space<vmem>>, vector<1280x128xf32>
    tpu.vector_store %arg10[%swap3A_65, %swap3A_66], %dot_general3A_64 {strides = array<i32>} : memref<1280x128xf32, #tpu.memory_space<vmem>>, vector<1280x128xf32>,
    return
  }
}

module attributes {stable_mosaic.version = 14 : i64} {
  func.func @_last_body(%arg0: memref<1280x128xf32, #tpu.memory_space<vmem>>, %arg1: memref<1280x128xf32, #tpu.memory_space<vmem>>, %arg2: memref<1280x128xf32, #tpu.memory_space<vmem>>, %arg3: memref<1x128xf32, #tpu.memory_space<vmem>>, %arg4: memref<1x128xf32, #tpu.memory_space<vmem>>, %arg5: memref<1x128xf32, #tpu.memory_space<vmem>>, %arg6: memref<128x128xf32, #tpu.memory_space<vmem>>, %arg7: memref<1280x128xf32, #tpu.memory_space<vmem>>) attributes {dimension_semantics = [], scalar_prefetch = 0 : i64, scratch_operands = 0 : i64, tpu.core_type = #tpu.core_type<tc>} {
    %get3A = arith.constant 0 : index
    %get3A_0 = arith.constant 0 : index
    %get3A_1 = vector.load %arg0[%get3A, %get3A_0] : memref<1280x128xf32, #tpu.memory_space<vmem>>, vector<1280x128xf32>
    %get3A_2 = arith.constant 0 : index
    %get3A_3 = arith.constant 0 : index
    %get3A_4 = vector.load %arg1[%get3A_2, %get3A_3] : memref<1280x128xf32, #tpu.memory_space<vmem>>, vector<1280x128xf32>
    %add3A = arith.addf %get3A_1, %get3A_4 : vector<1280x128xf32>
    %get3A_5 = arith.constant 0 : index
    %get3A_6 = arith.constant 0 : index
    %get3A_7 = vector.load %arg2[%get3A_5, %get3A_6] : memref<1280x128xf32, #tpu.memory_space<vmem>>, vector<1280x128xf32>
    %add3A_8 = arith.addf %add3A, %get3A_7 : vector<1280x128xf32>
    %get3A_9 = arith.constant 0 : index
    %get3A_10 = arith.constant 0 : index
    %get3A_11 = vector.load %arg3[%get3A_9, %get3A_10] : memref<1x128xf32, #tpu.memory_space<vmem>>, vector<1x128xf32>
    %add3A_12 = vector.broadcast %get3A_11 : vector<1x128xf32> to vector<1280x128xf32>
    %add3A_13 = arith.addf %add3A_8, %add3A_12 : vector<1280x128xf32>
    %get3A_14 = arith.constant 0 : index
    %get3A_15 = arith.constant 0 : index
    %get3A_16 = vector.load %arg4[%get3A_14, %get3A_15] : memref<1x128xf32, #tpu.memory_space<vmem>>, vector<1x128xf32>
    %get3A_17 = arith.constant 0 : index
    %get3A_18 = arith.constant 0 : index
    %get3A_19 = vector.load %arg5[%get3A_17, %get3A_18] : memref<1x128xf32, #tpu.memory_space<vmem>>, vector<1x128xf32>
    %get3A_20 = arith.constant 0 : index
    %get3A_21 = arith.constant 0 : index
    %get3A_22 = vector.load %arg6[%get3A_20, %get3A_21] : memref<128x128xf32, #tpu.memory_space<vmem>>, vector<128x128xf32>
    %iota3A = tpu.iota {dimensions = array<i32: 0>} : vector<1280x128xi32>
    %lt3A = arith.constant 1250 : i32
    %lt3A_23 = vector.broadcast %lt3A : i32 to vector<1280x128xi32>
    %lt3A_24 = arith.cmpi slt, %iota3A, %lt3A_23 : vector<1280x128xi32>
    %jit3A = arith.constant 0.000000e+00 : f32
    %broadcast_in_dim3A = vector.broadcast %jit3A : f32 to vector<1280x128xf32>
    %select_n3A = arith.select %lt3A_24, %add3A_13, %broadcast_in_dim3A : vector<1280x128xi1>, vector<1280x128xf32>
    %reduce_sum3A = arith.constant dense<0.000000e+00> : vector<128xf32>
    %reduce_sum3A_25 = vector.multi_reduction <add>, %select_n3A, %reduce_sum3A [0] : vector<1280x128xf32> to vector<128xf32>
    %broadcast_in_dim3A_26 = vector.shape_cast %reduce_sum3A_25 : vector<128xf32> to vector<1x128xf32>
    %mul3A = arith.mulf %select_n3A, %select_n3A : vector<1280x128xf32>
    %reduce_sum3A_27 = arith.constant dense<0.000000e+00> : vector<128xf32>
    %reduce_sum3A_28 = vector.multi_reduction <add>, %mul3A, %reduce_sum3A_27 [0] : vector<1280x128xf32> to vector<128xf32>
    %broadcast_in_dim3A_29 = vector.shape_cast %reduce_sum3A_28 : vector<128xf32> to vector<1x128xf32>
    %dot_general3A = arith.constant dense<0.000000e+00> : vector<1x128xf32>
    %dot_general3A_30 = tpu.matmul %broadcast_in_dim3A_26, %get3A_22, %dot_general3A {dimension_numbers = #tpu.dot_dimension_numbers<[1], [0], [0], [1], [0, 0, 1, 1], [], []>, precision = #tpu.contract_precision<fp32>, transpose_lhs_hint = false} : vector<1x128xf32>, vector<128x128xf32>, vector<1x128xf32> -> vector<1x128xf32>
    %mul3A_31 = arith.constant 9.99999974E-5 : f32
    %mul3A_32 = vector.broadcast %mul3A_31 : f32 to vector<1x128xf32>
    %mul3A_33 = arith.mulf %dot_general3A_30, %mul3A_32 : vector<1x128xf32>
    %dot_general3A_34 = arith.constant dense<0.000000e+00> : vector<1x128xf32>
    %dot_general3A_35 = tpu.matmul %broadcast_in_dim3A_29, %get3A_22, %dot_general3A_34 {dimension_numbers = #tpu.dot_dimension_numbers<[1], [0], [0], [1], [0, 0, 1, 1], [], []>, precision = #tpu.contract_precision<fp32>, transpose_lhs_hint = false} : vector<1x128xf32>, vector<128x128xf32>, vector<1x128xf32> -> vector<1x128xf32>
    %mul3A_36 = arith.constant 9.99999974E-5 : f32
    %mul3A_37 = vector.broadcast %mul3A_36 : f32 to vector<1x128xf32>
    %mul3A_38 = arith.mulf %dot_general3A_35, %mul3A_37 : vector<1x128xf32>
    %mul3A_39 = arith.mulf %mul3A_33, %mul3A_33 : vector<1x128xf32>
    %sub3A = arith.subf %mul3A_38, %mul3A_39 : vector<1x128xf32>
    %sub3A_40 = vector.broadcast %mul3A_33 : vector<1x128xf32> to vector<1280x128xf32>
    %sub3A_41 = arith.subf %add3A_13, %sub3A_40 : vector<1280x128xf32>
    %mul3A_42 = vector.broadcast %get3A_16 : vector<1x128xf32> to vector<1280x128xf32>
    %mul3A_43 = arith.mulf %mul3A_42, %sub3A_41 : vector<1280x128xf32>
    %add3A_44 = arith.constant 9.99999974E-6 : f32
    %add3A_45 = vector.broadcast %add3A_44 : f32 to vector<1x128xf32>
    %add3A_46 = arith.addf %sub3A, %add3A_45 : vector<1x128xf32>
    %rsqrt3A = math.rsqrt %add3A_46 : vector<1x128xf32>
    %mul3A_47 = vector.broadcast %rsqrt3A : vector<1x128xf32> to vector<1280x128xf32>
    %mul3A_48 = arith.mulf %mul3A_43, %mul3A_47 : vector<1280x128xf32>
    %add3A_49 = vector.broadcast %get3A_19 : vector<1x128xf32> to vector<1280x128xf32>
    %add3A_50 = arith.addf %mul3A_48, %add3A_49 : vector<1280x128xf32>
    %max3A = arith.constant 0.000000e+00 : f32
    %max3A_51 = vector.broadcast %max3A : f32 to vector<1280x128xf32>
    %max3A_52 = arith.maximumf %add3A_50, %max3A_51 : vector<1280x128xf32>
    %swap3A = arith.constant 0 : index
    %swap3A_53 = arith.constant 0 : index
    %swap3A_54 = vector.load %arg7[%swap3A, %swap3A_53] : memref<1280x128xf32, #tpu.memory_space<vmem>>, vector<1280x128xf32>
    tpu.vector_store %arg7[%swap3A, %swap3A_53], %max3A_52 {strides = array<i32>} : memref<1280x128xf32, #tpu.memory_space<vmem>>, vector<1280x128xf32>,
    return
  }
}

module attributes {stable_mosaic.version = 14 : i64} {
  func.func @_head_body(%arg0: memref<10x16000xf32, #tpu.memory_space<vmem>>, %arg1: memref<16000x128xf32, #tpu.memory_space<vmem>>, %arg2: memref<1x128xf32, #tpu.memory_space<vmem>>, %arg3: memref<128x2000xf32, #tpu.memory_space<vmem>>, %arg4: memref<1x2000xf32, #tpu.memory_space<vmem>>, %arg5: memref<10x2000xf32, #tpu.memory_space<vmem>>) attributes {dimension_semantics = [], scalar_prefetch = 0 : i64, scratch_operands = 0 : i64, tpu.core_type = #tpu.core_type<tc>} {
    %get3A = arith.constant 0 : index
    %get3A_0 = arith.constant 0 : index
    %get3A_1 = vector.load %arg0[%get3A, %get3A_0] : memref<10x16000xf32, #tpu.memory_space<vmem>>, vector<10x16000xf32>
    %get3A_2 = arith.constant 0 : index
    %get3A_3 = arith.constant 0 : index
    %get3A_4 = vector.load %arg1[%get3A_2, %get3A_3] : memref<16000x128xf32, #tpu.memory_space<vmem>>, vector<16000x128xf32>
    %dot_general3A = arith.constant dense<0.000000e+00> : vector<10x128xf32>
    %dot_general3A_5 = tpu.matmul %get3A_1, %get3A_4, %dot_general3A {dimension_numbers = #tpu.dot_dimension_numbers<[1], [0], [0], [1], [0, 0, 1, 1], [], []>, precision = #tpu.contract_precision<fp32>, transpose_lhs_hint = false} : vector<10x16000xf32>, vector<16000x128xf32>, vector<10x128xf32> -> vector<10x128xf32>
    %get3A_6 = arith.constant 0 : index
    %get3A_7 = arith.constant 0 : index
    %get3A_8 = vector.load %arg2[%get3A_6, %get3A_7] : memref<1x128xf32, #tpu.memory_space<vmem>>, vector<1x128xf32>
    %add3A = vector.broadcast %get3A_8 : vector<1x128xf32> to vector<10x128xf32>
    %add3A_9 = arith.addf %dot_general3A_5, %add3A : vector<10x128xf32>
    %max3A = arith.constant 0.000000e+00 : f32
    %max3A_10 = vector.broadcast %max3A : f32 to vector<10x128xf32>
    %max3A_11 = arith.maximumf %add3A_9, %max3A_10 : vector<10x128xf32>
    %get3A_12 = arith.constant 0 : index
    %get3A_13 = arith.constant 0 : index
    %get3A_14 = vector.load %arg3[%get3A_12, %get3A_13] : memref<128x2000xf32, #tpu.memory_space<vmem>>, vector<128x2000xf32>
    %dot_general3A_15 = arith.constant dense<0.000000e+00> : vector<10x2000xf32>
    %dot_general3A_16 = tpu.matmul %max3A_11, %get3A_14, %dot_general3A_15 {dimension_numbers = #tpu.dot_dimension_numbers<[1], [0], [0], [1], [0, 0, 1, 1], [], []>, precision = #tpu.contract_precision<fp32>, transpose_lhs_hint = false} : vector<10x128xf32>, vector<128x2000xf32>, vector<10x2000xf32> -> vector<10x2000xf32>
    %get3A_17 = arith.constant 0 : index
    %get3A_18 = arith.constant 0 : index
    %get3A_19 = vector.load %arg4[%get3A_17, %get3A_18] : memref<1x2000xf32, #tpu.memory_space<vmem>>, vector<1x2000xf32>
    %add3A_20 = vector.broadcast %get3A_19 : vector<1x2000xf32> to vector<10x2000xf32>
    %add3A_21 = arith.addf %dot_general3A_16, %add3A_20 : vector<10x2000xf32>
    %swap3A = arith.constant 0 : index
    %swap3A_22 = arith.constant 0 : index
    %swap3A_23 = vector.load %arg5[%swap3A, %swap3A_22] : memref<10x2000xf32, #tpu.memory_space<vmem>>, vector<10x2000xf32>
    tpu.vector_store %arg5[%swap3A, %swap3A_22], %add3A_21 {strides = array<i32>} : memref<10x2000xf32, #tpu.memory_space<vmem>>, vector<10x2000xf32>,
    return
  }
}

</mosaic_0001>

<sc_bundles>
// kernel: kernel.12.cloned.1.call-start
scs
__scs_entry_jumppad:
0x0: {  	(pc) =	sbr.rel $0x88, $3  }
0x1: {  	(tag) =	ssettag $0x0;
	lr =	simm.s32 $0x1  }
0x2: {  	[smem:$0x3F91] =	sst lr;
	_ =	strace $0xD0000000  }
0x3: {  	_ = 	snop  }
0x4: {  	_ = 	snop  }
0x5: {  	_ = 	snop  }
0x6: {  	_ = 	snop  }
0x7: {  	_ = 	snop  }
__scs_overlays_trampoline_lowered:
0x8: {  	[smem:$0x3FA0] =	sst s0  }
0x9: {  	[smem:$0x3FA1] =	sst s1  }
0xa: {  	[smem:$0x3FA2] =	sst s2  }
0xb: {  	[smem:$0x3FA3] =	sst s3  }
0xc: {  	[smem:$0x3FA4] =	sst s4  }
0xd: {  	[smem:$0x3FA5] =	sst s5  }
0xe: {  	[smem:$0x3FA6] =	sst s6  }
0xf: {  	[smem:$0x3FA7] =	sst s7  }
0x10: {  	[smem:$0x3FA8] =	sst s8  }
0x11: {  	[smem:$0x3FA9] =	sst s9;
	s0 =	simm.s32 @!p0 $0x0  }
0x12: {  	s1 =	sld [smem:$0x3F8F];
	s0 =	simm.s32 @p0 $0x1  }
0x13: {  	[smem:$0x3FAA] =	sst s0;
	s0 =	simm.s32 @!p1 $0x0  }
0x14: {  	s2 =	sld [smem:$0x3F8E];
	s0 =	simm.s32 @p1 $0x1  }
0x15: {  	[smem:$0x3FAB] =	sst s0;
	s0 =	simm.s32 @!p2 $0x0  }
0x16: {  	s3 =	sld [smem:$0x3FDB];
	s0 =	simm.s32 @p2 $0x1  }
0x17: {  	s4 =	simm.s32 $0x1BF5;
	[smem:$0x3FAD] =	sst s0  }
0x18: {  	s0 =	sld [smem:$0x3F90];
	_ =	swait.ge [sflag:s4], $0x0  }
0x19: {  	s7 =	sld [smem:$0x3F91]  }
0x1a: {  	s8 =	sadd.s32 $0xFFFFE003, lr  }
0x1b: {  	s9 =	sadd.s32 $0xFFFFFEF7, lr;
	s5 =	simm.s32 $0xFFFFFFFF;
	p2 =	slt.u32 s8, $0xFFFFF086  }
0x1c: {  	p1 =	slt.u32 s9, $0xF7A;
	s5 =	simm.s32 @!p2 $0x0  }
0x1d: {  	s5 =	simm.s32 @p1 $0x1;
	p0 =	seq.s32 s7, s2  }
0x1e: {  	s7 =	smul.u32 @!p0 $0xF7A, s2;
	p2 =	seq.s32 @!p0 s5, $0x0  }
0x1f: {  	s9 =	smul.u32 $0xF7A, s1;
	s8 =	simm.s32 @!p0 $0x1BF5;
	p2 =	por !p2, p0  }
0x20: {  	[sflag:s8] =	ssyncset.s32 @!p0 $0xFFFFF086;
	s6 =	sadd.s32 @!p0 s3, s7;
	s7 =	simm.s32 @!p0 $0x108  }
0x21: {  	s3 =	sadd.s32 s3, s9;
	s6 =	sadd.s32 @!p0 $0x88, s6;
	s7 =	simm.s32 @p2 $0x1082  }
0x22: {  	[simem:s7], [sflag:s8] =	dma.local @!p0 [hbm:s6], $0xF7A  }
0x23: {  	s9 =	sor.u32 $0xD0000000, s2;
	s6 =	simm.s32 $0x108;
	_ =	swait.ge @!p0 [sflag:s8], $0x0  }
0x24: {  	s3 =	sadd.s32 $0x88, s3;
	s6 =	simm.s32 @!p1 $0x1082;
	[sflag:s4] =	ssyncset.s32 $0xFFFFF086  }
0x25: {  	[simem:s6], [sflag:s4] =	dma.local [hbm:s3], $0xF7A  }
0x26: {  	[smem:$0x3F91] =	sst s1;
	(tag) =	ssettag s2;
	_ =	strace s9  }
0x27: {  	s1 =	sld [smem:$0x3FA1]  }
0x28: {  	s2 =	sld [smem:$0x3FA2]  }
0x29: {  	s4 =	sld [smem:$0x3FA4]  }
0x2a: {  	p0 =	seq.s32 s5, $0x0;
	s5 =	sld [smem:$0x3FA5]  }
0x2b: {  	s6 =	sld [smem:$0x3FA6]  }
0x2c: {  	s7 =	sld [smem:$0x3FA7]  }
0x2d: {  	s3 =	simm.s32 $0x108;
	s8 =	sld [smem:$0x3FA8]  }
0x2e: {  	s3 =	simm.s32 @!p0 $0x1082;
	s9 =	sld [smem:$0x3FA9]  }
0x2f: {  	lr =	sadd.s32 s0, s3;
	s0 =	sld [smem:$0x3FA0]  }
0x30: {  	s3 =	sld [smem:$0x3FA3]  }
0x31: {  	[smem:$0x3FAC] =	sst s10  }
0x32: {  	s10 =	sld [smem:$0x3FAA];
	_ =	sdelay $0x3  }
0x33: {  	p0 =	seq.s32 s10, $0x1;
	s10 =	sld [smem:$0x3FAC];
	_ =	sdelay $0x3  }
0x34: {  	[smem:$0x3FAC] =	sst s10  }
0x35: {  	s10 =	sld [smem:$0x3FAB];
	_ =	sdelay $0x3  }
0x36: {  	p1 =	seq.s32 s10, $0x1;
	s10 =	sld [smem:$0x3FAC];
	_ =	sdelay $0x3  }
0x37: {  	[smem:$0x3FAC] =	sst s10  }
0x38: {  	s10 =	sld [smem:$0x3FAD]  }
0x39: {  	_ = 	snop;
	(pc) =	sbr.ind lr, $3  }
0x3a: {  	_ = 	snop  }
0x3b: {  	_ = 	snop  }
0x3c: {  	p2 =	seq.s32 s10, $0x1;
	s10 =	sld [smem:$0x3FAC]  }
0x3d: {  	_ =	shalt  }
0x3e: {  	_ =	shalt  }
0x3f: {  	_ =	shalt  }
0x40: {  	_ =	shalt  }
0x41: {  	_ =	shalt  }
0x42: {  	_ =	shalt  }
0x43: {  	_ =	shalt  }
0x44: {  	_ =	shalt  }
0x45: {  	_ =	shalt  }
0x46: {  	_ =	shalt  }
0x47: {  	_ =	shalt  }
0x48: {  	_ =	shalt  }
0x49: {  	_ =	shalt  }
0x4a: {  	_ =	shalt  }
0x4b: {  	_ =	shalt  }
0x4c: {  	_ =	shalt  }
0x4d: {  	_ =	shalt  }
0x4e: {  	_ =	shalt  }
0x4f: {  	_ =	shalt  }
0x50: {  	_ =	shalt  }
0x51: {  	_ =	shalt  }
0x52: {  	_ =	shalt  }
0x53: {  	_ =	shalt  }
0x54: {  	_ =	shalt  }
0x55: {  	_ =	shalt  }
0x56: {  	_ =	shalt  }
0x57: {  	_ =	shalt  }
0x58: {  	_ =	shalt  }
0x59: {  	_ =	shalt  }
0x5a: {  	_ =	shalt  }
0x5b: {  	_ =	shalt  }
0x5c: {  	_ =	shalt  }
0x5d: {  	_ =	shalt  }
0x5e: {  	_ =	shalt  }
0x5f: {  	_ =	shalt  }
0x60: {  	_ =	shalt  }
0x61: {  	_ =	shalt  }
0x62: {  	_ =	shalt  }
0x63: {  	_ =	shalt  }
0x64: {  	_ =	shalt  }
0x65: {  	_ =	shalt  }
0x66: {  	_ =	shalt  }
0x67: {  	_ =	shalt  }
0x68: {  	_ =	shalt  }
0x69: {  	_ =	shalt  }
0x6a: {  	_ =	shalt  }
0x6b: {  	_ =	shalt  }
0x6c: {  	_ =	shalt  }
0x6d: {  	_ =	shalt  }
0x6e: {  	_ =	shalt  }
0x6f: {  	_ =	shalt  }
0x70: {  	_ =	shalt  }
0x71: {  	_ =	shalt  }
0x72: {  	_ =	shalt  }
0x73: {  	_ =	shalt  }
0x74: {  	_ =	shalt  }
0x75: {  	_ =	shalt  }
0x76: {  	_ =	shalt  }
0x77: {  	_ =	shalt  }
0x78: {  	_ =	shalt  }
0x79: {  	_ =	shalt  }
0x7a: {  	_ =	shalt  }
0x7b: {  	_ =	shalt  }
0x7c: {  	_ =	shalt  }
0x7d: {  	_ =	shalt  }
0x7e: {  	_ =	shalt  }
0x7f: {  	_ =	shalt  }
0x80: {  	_ =	shalt  }
0x81: {  	_ =	shalt  }
0x82: {  	_ =	shalt  }
0x83: {  	_ =	shalt  }
0x84: {  	_ =	shalt  }
0x85: {  	_ =	shalt  }
0x86: {  	_ =	shalt  }
0x87: {  	_ =	shalt  }
.Lfunc_end0:
.L_simem_size_0:
called_computation.1_lowered:
.L_overlay_start_0:
0x88: {  	s2 =	sld [smem:$0x3FD9]  }
0x89: {  	s3 =	sld [smem:$0x3FFE];
	_ =	sdelay $0x1  }
0x8a: {  	s1 =	srdreg.scid  }
0x8b: {  	s0 =	sand.u32 $0x1, s1  }
0x8c: {  	s16 =	sshll.u32 s0, $0xA;
	s2 =	sadd.s32 s3, s2  }
0x8d: {  	s2 =	sadd.s32 s2, s16  }
0x8e: {  	[smem:$0x3FB8] =	sst s2  }
0x8f: {  	_ = 	snop  }
0x90: {  	(tm) =	ssettm $0x1  }
0x91: {  	s17 =	sld [smem:$0x3FFB];
	_ =	sdelay $0x3  }
0x92: {  	_ =	strace s17  }
0x93: {  	s2 =	sld [smem:$0x3FFC];
	_ =	sdelay $0x3  }
0x94: {  	_ =	strace s2  }
0x95: {  	s2 =	sld [smem:$0x3FFD];
	_ =	sdelay $0x3  }
0x96: {  	_ =	strace s2  }
0x97: {  	_ =	strace $0x8FFFFFFF  }
0x98: {  	s18 =	sld [smem:$0x3FDB];
	_ =	sdelay $0x1  }
0x99: {  	s19 =	simm.s32 $_scs_section_size  }
0x9a: {  	s4 =	simm.s32 $_size__tile_overlayer_lowered;
	s5 =	simm.s32 $_tile_overlayer_lowered  }
0x9b: {  	s22 =	simm.s32 $0x1BFF;
	s21 =	sshll.u32 s5, $0x1;
	s2 =	sadd.s32 s19, s18  }
0x9c: {  	s6 =	simm.s32 $0x0;
	s20 =	sshll.u32 s4, $0x1;
	s4 =	sadd.s32 s21, s2  }
0x9d: {  	[timem:s6], [sflag:s22] =	dma.local [hbm:s4], s20  }
0x9e: {  	_ =	swait.ge [sflag:s22], s20  }
0x9f: {  	s3 =	ssub.s32 $0x0, s20;
	[sflag:s22] =	ssyncset.done $0x0  }
0xa0: {  	[sflag:s22] =	ssyncadd.s32 s3;
	_ =	sdelay $0x1  }
0xa1: {  	s23 =	simm.s32 $0x1B8B  }
0xa2: {  	_ =	swait.ge [sflag:s23], $0x1  }
0xa3: {  	[sflag:s23] =	ssyncset.done $0x0  }
0xa4: {  	s25 =	simm.s32 $0x1B8E;
	s24 =	sld [smem:$0x3FFE];
	[sflag:s23] =	ssyncadd.s32 $0xFFFFFFFF  }
0xa5: {  	s26 =	simm.s32 $execute0_lowered;
	[smem:$0x3FD2] =	sst s25  }
0xa6: {  	s4 =	sshll.u32 s26, $0x1;
	_ =	strace $0x80000049;
	[dreg:$0x1] =	wrdreg $0xFFFFFFFF  }
0xa7: {  	s28 =	simm.s32 $_size_execute0_lowered;
	s2 =	sadd.s32 s2, s4;
	[dreg:$0x0] =	wrdreg $0x0  }
0xa8: {  	s4 =	sshll.u32 s28, $0x1;
	[dreg:$0x2] =	wrdreg s2  }
0xa9: {  	[dreg:$0x3] =	wrdreg s4  }
0xaa: {  	[dreg:$0x4] =	wrdreg $0xC0  }
0xab: {  	_ =	task [dreg:s6], $0x5FFFF  }
0xac: {  	[dreg:$0x1] =	wrdreg $0xFFFFFFFF  }
0xad: {  	[dreg:$0x0] =	wrdreg $0x60  }
0xae: {  	[dreg:$0x2] =	wrdreg s24  }
0xaf: {  	[dreg:$0x3] =	wrdreg $0x8F200  }
0xb0: {  	[dreg:$0x4] =	wrdreg $0x67200  }
0xb1: {  	[dreg:$0x5] =	wrdreg $0x9  }
0xb2: {  	_ =	task.clear_ibuf [dreg:s6], $0x6FFFF;
	_ =	strace $0x90000049  }
0xb3: {  	s29 =	simm.s32 $0x9;
	_ =	strace $0x8000004B  }
0xb4: {  	_ =	swait.ge [sflag:s29], $0x1  }
0xb5: {  	[sflag:s29] =	ssyncadd.s32 $0xFFFFFFFF  }
0xb6: {  	_ =	strace $0x9000004B  }
0xb7: {  	_ =	sfence  }
0xb8: {  	s30 =	sld [smem:$0x0];
	_ =	sdelay $0x2  }
0xb9: {  	s31 =	sshll.u32 s1, $0xD;
	s1 =	sshrl.u32 s1, $0x2  }
0xba: {  	s3 =	sand.u32 $0x4000, s31;
	s1 =	sadd.s32 s1, s30  }
0xbb: {  	s0 =	sor.u32 s3, s0;
	s1 =	sshll.u32 s1, $0x11  }
0xbc: {  	s0 =	sor.u32 s1, s0  }
0xbd: {  	s0 =	sadd.s32 $0x8F2B, s0  }
0xbe: {  	[sflag:s0] =	ssyncadd.remote.s32 $0x1  }
0xbf: {  	_ =	sfence.sel $0xFFFF  }
0xc0: {  	[dreg:$0x0] =	wrdreg $0xFFFFFFFF;
	(pc) =	sbr.abs _section_cstart, $3  }
0xc1: {  	[dreg:$0x1] =	wrdreg $0xFFFFFFFF  }
0xc2: {  	_ =	task.clear_ibuf [dreg:s6], $0x2FFFF;
	_ =	strace $0x9FFFFFFF  }
0xc3: {  	(tm) =	ssettm $0x7FFFFFFF  }
tec
execute0_lowered:
.L_overlay_start_1:
0x0: {  	(tag) =	ssettag $0x1  }
0x1: {  	s0 =	srdreg.scid;
	s1 =	rddreg [dreg:$0x0]  }
0x2: {  	s2 =	rddreg [dreg:$0x1];
	s11 =	stileid.u32  }
0x3: {  	s3 =	rddreg [dreg:$0x2];
	s16 =	simm.s32 $0x50;
	s17 =	simm.s32 $0x4E20  }
0x4: {  	s18 =	simm.s32 $0x5320;
	s20 =	simm.s32 $0x5820;
	s22 =	simm.s32 $0x5D20  }
0x5: {  	s28 =	simm.s32 $0x3;
	s29 =	simm.s32 $0x4;
	s30 =	simm.s32 $0x5  }
0x6: {  	s31 =	simm.s32 $0x6;
	s19 =	simm.s32 $0xA;
	s23 =	simm.s32 $0x0  }
0x7: {  	s0 =	sand.u32 $0x1, s0;
	s8 =	smul.u32 $0x2800, s11;
	s26 =	sshll.u32 s11, $0x6  }
0x8: {  	s4 =	sshll.u32 s0, $0x4;
	s6 =	ssub.s32 $0x2, s0;
	p0 =	seq.s32 s0, $0x1  }
0x9: {  	s0 =	simm.s32 $0x26C00;
	s13 =	sor.u32 $0x1C0B, s26;
	s26 =	simm.s32 $0x2  }
0xa: {  	s5 =	sor.u32 s11, s4;
	s4 =	simm.s32 $0x0;
	s7 =	sshrl.u32 s8, $0x3  }
0xb: {  	s9 =	sshrl.u32 s6, $0x1;
	s25 =	sadd.s32 s8, s2;
	s12 =	sadd.s32 s8, s3  }
0xc: {  	s0 =	simm.s32 @!p0 $0x21C00;
	s11 =	simm.s32 $0xB;
	s5 =	smul.u32 $0x2710, s5  }
0xd: {  	[smem:$0x7FF] =	sst s4;
	s9 =	ssub.s32 s6, s9;
	s14 =	sshrl.u32 s25, $0x3  }
0xe: {  	s15 =	sshrl.u32 s12, $0x3;
	s25 =	simm.s32 $0x1;
	s5 =	sshrl.u32 s5, $0x3  }
0xf: {  	s12 =	simm.s32 $0x9;
	_ =	strace $0x8000004A;
	s5 =	sadd.s32 s5, s1  }
0x10: {  	s9 =	smax.u32 s9, $0x1;
	s1 =	sadd.s32 s7, s1;
	s24 =	sadd.s32 $0x4200, s5  }
0x11: {  	s5 =	sadd.s32 $0xDE40, s5;
	s7 =	sadd.s32 $0x17C00, s1;
	s8 =	sadd.s32 $0x1CC00, s1  }
0x12: {  	s10 =	sadd.s32 s0, s1;
	s1 =	simm.s32 $0x7;
	[dreg:$0x4] =	wrdreg s24  }
0x13: {  	s0 =	simm.s32 $0x8;
	[dreg:$0x5] =	wrdreg s5;
	s24 =	simm.s32 $0x6220  }
.LBB2_1:
0x14: {  	s5 =	rddreg [dreg:$0x4]  }
0x15: {  	[tilespmem:s4], [sflag:$0xB] =	stream.linear.gather [hbm4b:s5+s4], $0x2710, $0x38;
	[tilespmem:$0xB720] =	vst v63  }
0x16: {  	_ =	swait.ge [sflag:s11], $0x2710  }
0x17: {  	[sflag:s11] =	ssyncset.done $0x0  }
0x18: {  	s6 =	simm.s32 $0x2710;
	s21 =	rddreg [dreg:$0x5];
	[sflag:s11] =	ssyncadd.s32 $0xFFFFD8F0  }
0x19: {  	[tilespmem:s6], [sflag:$0xB] =	stream.linear.gather [hbm4b:s21+s4], $0x2710, $0x38;
	[tilespmem:$0xB720] =	vst v63  }
0x1a: {  	_ =	swait.ge [sflag:s11], $0x2710  }
0x1b: {  	[sflag:s11] =	ssyncset.done $0x0  }
0x1c: {  	[sflag:s11] =	ssyncadd.s32 $0xFFFFD8F0  }
0x1d: {  	[spmem:s14], [sflag:s13] =	dma.local [hbm:s7], $0x500  }
0x1e: {  	_ =	swait.ge [sflag:s11], $0x500  }
0x1f: {  	[sflag:s11] =	ssyncset.done $0x0  }
0x20: {  	[sflag:s11] =	ssyncadd.s32 $0xFFFFFB00  }
0x21: {  	[spmem:s15], [sflag:s13] =	dma.local [hbm:s8], $0x500  }
0x22: {  	_ =	swait.ge [sflag:s11], $0x500  }
0x23: {  	[sflag:s11] =	ssyncset.done $0x0  }
0x24: {  	[sflag:s11] =	ssyncadd.s32 $0xFFFFFB00  }
0x25: {  	[bflag:$0x0] =	sbarrier.arrive $0xFFFF  }
0x26: {  	[tilespmem:s17], [sflag:$0x1] =	stream.indirect.gather [spmem:s2], $0x10, s4, s16, $0xb8;
	[tilespmem:$0xB720] =	vst v63  }
0x27: {  	_ = 	snop  }
0x28: {  	[tilespmem:s18], [sflag:$0x2] =	stream.indirect.gather [spmem:s2], $0x10, s16, s16, $0xb8;
	[tilespmem:$0xB720] =	vst v63  }
0x29: {  	s6 =	simm.s32 $0xA0  }
0x2a: {  	[tilespmem:s20], [sflag:$0x3] =	stream.indirect.gather [spmem:s2], $0x10, s6, s16, $0xb8;
	[tilespmem:$0xB720] =	vst v63  }
0x2b: {  	s21 =	simm.s32 $0xF0  }
0x2c: {  	[tilespmem:s22], [sflag:$0x4] =	stream.indirect.gather [spmem:s2], $0x10, s21, s16, $0xb8;
	[tilespmem:$0xB720] =	vst v63  }
0x2d: {  	s6 =	simm.s32 $0x140  }
0x2e: {  	[tilespmem:s24], [sflag:$0x5] =	stream.indirect.gather [spmem:s2], $0x10, s6, s16, $0xb8;
	[tilespmem:$0xB720] =	vst v63  }
0x2f: {  	_ =	swait.ge [sflag:s25], $0x500  }
0x30: {  	[sflag:s25] =	ssyncset.done $0x0  }
0x31: {  	s21 =	simm.s32 $0x2710;
	[sflag:s25] =	ssyncadd.s32 $0xFFFFFB00  }
0x32: {  	[spmem:s3] =	stream.indirect.scatter.add.f32 [tilespmem:s17], [sflag:$0x6], $0x10, s21, s16, $0xb8;
	[tilespmem:$0xB720] =	vst v63  }
0x33: {  	_ =	swait.ge [sflag:s26], $0x500  }
0x34: {  	[sflag:s26] =	ssyncset.done $0x0  }
0x35: {  	s6 =	simm.s32 $0x2760;
	[sflag:s26] =	ssyncadd.s32 $0xFFFFFB00  }
0x36: {  	[spmem:s3] =	stream.indirect.scatter.add.f32 [tilespmem:s18], [sflag:$0x7], $0x10, s6, s16, $0xb8;
	[tilespmem:$0xB720] =	vst v63  }
0x37: {  	_ =	swait.ge [sflag:s28], $0x500  }
0x38: {  	[sflag:s28] =	ssyncset.done $0x0  }
0x39: {  	s21 =	simm.s32 $0x27B0;
	[sflag:s28] =	ssyncadd.s32 $0xFFFFFB00  }
0x3a: {  	[spmem:s3] =	stream.indirect.scatter.add.f32 [tilespmem:s20], [sflag:$0x8], $0x10, s21, s16, $0xb8;
	[tilespmem:$0xB720] =	vst v63  }
0x3b: {  	_ =	swait.ge [sflag:s29], $0x500  }
0x3c: {  	[sflag:s29] =	ssyncset.done $0x0  }
0x3d: {  	s6 =	simm.s32 $0x2800;
	[sflag:s29] =	ssyncadd.s32 $0xFFFFFB00  }
0x3e: {  	[spmem:s3] =	stream.indirect.scatter.add.f32 [tilespmem:s22], [sflag:$0x9], $0x10, s6, s16, $0xb8;
	[tilespmem:$0xB720] =	vst v63  }
0x3f: {  	_ =	swait.ge [sflag:s30], $0x500  }
0x40: {  	[sflag:s30] =	ssyncset.done $0x0  }
0x41: {  	s21 =	simm.s32 $0x2850;
	[sflag:s30] =	ssyncadd.s32 $0xFFFFFB00  }
0x42: {  	[spmem:s3] =	stream.indirect.scatter.add.f32 [tilespmem:s24], [sflag:$0xA], $0x10, s21, s16, $0xb8;
	[tilespmem:$0xB720] =	vst v63  }
0x43: {  	_ =	swait.ge [sflag:s31], $0x500  }
0x44: {  	[sflag:s31] =	ssyncset.done $0x0  }
0x45: {  	s6 =	simm.s32 $0x190;
	[sflag:s31] =	ssyncadd.s32 $0xFFFFFB00  }
0x46: {  	[tilespmem:s17], [sflag:$0x1] =	stream.indirect.gather [spmem:s2], $0x10, s6, s16, $0xb8;
	[tilespmem:$0xB720] =	vst v63  }
0x47: {  	_ =	swait.ge [sflag:s1], $0x500  }
0x48: {  	[sflag:s1] =	ssyncset.done $0x0  }
0x49: {  	s21 =	simm.s32 $0x1E0;
	[sflag:s1] =	ssyncadd.s32 $0xFFFFFB00  }
0x4a: {  	[tilespmem:s18], [sflag:$0x2] =	stream.indirect.gather [spmem:s2], $0x10, s21, s16, $0xb8;
	[tilespmem:$0xB720] =	vst v63  }
0x4b: {  	_ =	swait.ge [sflag:s0], $0x500  }
0x4c: {  	[sflag:s0] =	ssyncset.done $0x0  }
0x4d: {  	s6 =	simm.s32 $0x230;
	[sflag:s0] =	ssyncadd.s32 $0xFFFFFB00  }
0x4e: {  	[tilespmem:s20], [sflag:$0x3] =	stream.indirect.gather [spmem:s2], $0x10, s6, s16, $0xb8;
	[tilespmem:$0xB720] =	vst v63  }
0x4f: {  	_ =	swait.ge [sflag:s12], $0x500  }
0x50: {  	[sflag:s12] =	ssyncset.done $0x0  }
0x51: {  	s21 =	simm.s32 $0x280;
	[sflag:s12] =	ssyncadd.s32 $0xFFFFFB00  }
0x52: {  	[tilespmem:s22], [sflag:$0x4] =	stream.indirect.gather [spmem:s2], $0x10, s21, s16, $0xb8;
	[tilespmem:$0xB720] =	vst v63  }
0x53: {  	_ =	swait.ge [sflag:s19], $0x500  }
0x54: {  	[sflag:s19] =	ssyncset.done $0x0  }
0x55: {  	s5 =	simm.s32 $0x2D0;
	s21 =	simm.s32 $0x640;
	[sflag:s19] =	ssyncadd.s32 $0xFFFFFB00  }
.LBB2_2:
0x56: {  	[tilespmem:s24], [sflag:$0x5] =	stream.indirect.gather [spmem:s2], $0x10, s5, s16, $0xb8;
	[tilespmem:$0xB720] =	vst v63  }
0x57: {  	s5 =	smov.u32 s21  }
0x58: {  	p0 =	sne.s32 s21, $0x8FC0;
	s21 =	sadd.s32 $0x640, s21;
	_ =	swait.ge [sflag:s25], $0x500  }
0x59: {  	s5 =	sshra.s32 s5, $0x2;
	[sflag:s25] =	ssyncset.done $0x0  }
0x5a: {  	s6 =	sadd.s32 $0x2710, s5;
	[sflag:s25] =	ssyncadd.s32 $0xFFFFFB00  }
0x5b: {  	[spmem:s3] =	stream.indirect.scatter.add.f32 [tilespmem:s17], [sflag:$0x6], $0x10, s6, s16, $0xb8;
	[tilespmem:$0xB720] =	vst v63  }
0x5c: {  	_ =	swait.ge [sflag:s26], $0x500  }
0x5d: {  	[sflag:s26] =	ssyncset.done $0x0  }
0x5e: {  	s6 =	sadd.s32 $0x2760, s5;
	[sflag:s26] =	ssyncadd.s32 $0xFFFFFB00  }
0x5f: {  	[spmem:s3] =	stream.indirect.scatter.add.f32 [tilespmem:s18], [sflag:$0x7], $0x10, s6, s16, $0xb8;
	[tilespmem:$0xB720] =	vst v63  }
0x60: {  	_ =	swait.ge [sflag:s28], $0x500  }
0x61: {  	[sflag:s28] =	ssyncset.done $0x0  }
0x62: {  	s6 =	sadd.s32 $0x27B0, s5;
	[sflag:s28] =	ssyncadd.s32 $0xFFFFFB00  }
0x63: {  	[spmem:s3] =	stream.indirect.scatter.add.f32 [tilespmem:s20], [sflag:$0x8], $0x10, s6, s16, $0xb8;
	[tilespmem:$0xB720] =	vst v63  }
0x64: {  	_ =	swait.ge [sflag:s29], $0x500  }
0x65: {  	[sflag:s29] =	ssyncset.done $0x0  }
0x66: {  	s6 =	sadd.s32 $0x2800, s5;
	[sflag:s29] =	ssyncadd.s32 $0xFFFFFB00  }
0x67: {  	[spmem:s3] =	stream.indirect.scatter.add.f32 [tilespmem:s22], [sflag:$0x9], $0x10, s6, s16, $0xb8;
	[tilespmem:$0xB720] =	vst v63  }
0x68: {  	_ =	swait.ge [sflag:s30], $0x500  }
0x69: {  	[sflag:s30] =	ssyncset.done $0x0  }
0x6a: {  	s6 =	sadd.s32 $0x2850, s5;
	[sflag:s30] =	ssyncadd.s32 $0xFFFFFB00  }
0x6b: {  	[spmem:s3] =	stream.indirect.scatter.add.f32 [tilespmem:s24], [sflag:$0xA], $0x10, s6, s16, $0xb8;
	[tilespmem:$0xB720] =	vst v63  }
0x6c: {  	_ =	swait.ge [sflag:s31], $0x500  }
0x6d: {  	[sflag:s31] =	ssyncset.done $0x0  }
0x6e: {  	s6 =	sadd.s32 $0x190, s5;
	[sflag:s31] =	ssyncadd.s32 $0xFFFFFB00  }
0x6f: {  	[tilespmem:s17], [sflag:$0x1] =	stream.indirect.gather [spmem:s2], $0x10, s6, s16, $0xb8;
	[tilespmem:$0xB720] =	vst v63  }
0x70: {  	_ =	swait.ge [sflag:s1], $0x500  }
0x71: {  	[sflag:s1] =	ssyncset.done $0x0  }
0x72: {  	s6 =	sadd.s32 $0x1E0, s5;
	[sflag:s1] =	ssyncadd.s32 $0xFFFFFB00  }
0x73: {  	[tilespmem:s18], [sflag:$0x2] =	stream.indirect.gather [spmem:s2], $0x10, s6, s16, $0xb8;
	[tilespmem:$0xB720] =	vst v63  }
0x74: {  	_ =	swait.ge [sflag:s0], $0x500  }
0x75: {  	[sflag:s0] =	ssyncset.done $0x0  }
0x76: {  	s6 =	sadd.s32 $0x230, s5;
	[sflag:s0] =	ssyncadd.s32 $0xFFFFFB00  }
0x77: {  	[tilespmem:s20], [sflag:$0x3] =	stream.indirect.gather [spmem:s2], $0x10, s6, s16, $0xb8;
	[tilespmem:$0xB720] =	vst v63  }
0x78: {  	_ =	swait.ge [sflag:s12], $0x500  }
0x79: {  	[sflag:s12] =	ssyncset.done $0x0  }
.Ltmp0:
0x7a: {  	s6 =	sadd.s32 $0x280, s5;
	[sflag:s12] =	ssyncadd.s32 $0xFFFFFB00;
	(pc) =	sbr.rel @p0 .LBB2_2-.Ltmp0, $4  }
0x7b: {  	[tilespmem:s22], [sflag:$0x4] =	stream.indirect.gather [spmem:s2], $0x10, s6, s16, $0xb8;
	[tilespmem:$0xB720] =	vst v63  }
0x7c: {  	_ =	swait.ge [sflag:s19], $0x500  }
0x7d: {  	[sflag:s19] =	ssyncset.done $0x0  }
0x7e: {  	s5 =	sadd.s32 $0x2D0, s5;
	[sflag:s19] =	ssyncadd.s32 $0xFFFFFB00  }
0x7f: {  	[tilespmem:s24], [sflag:$0x5] =	stream.indirect.gather [spmem:s2], $0x10, s5, s16, $0xb8;
	[tilespmem:$0xB720] =	vst v63  }
0x80: {  	_ =	swait.ge [sflag:s25], $0x500  }
0x81: {  	[sflag:s25] =	ssyncset.done $0x0  }
0x82: {  	s21 =	simm.s32 $0x4C90;
	[sflag:s25] =	ssyncadd.s32 $0xFFFFFB00  }
0x83: {  	[spmem:s3] =	stream.indirect.scatter.add.f32 [tilespmem:s17], [sflag:$0x6], $0x10, s21, s16, $0xb8;
	[tilespmem:$0xB720] =	vst v63  }
0x84: {  	_ =	swait.ge [sflag:s26], $0x500  }
0x85: {  	[sflag:s26] =	ssyncset.done $0x0  }
0x86: {  	s6 =	simm.s32 $0x4CE0;
	[sflag:s26] =	ssyncadd.s32 $0xFFFFFB00  }
0x87: {  	[spmem:s3] =	stream.indirect.scatter.add.f32 [tilespmem:s18], [sflag:$0x7], $0x10, s6, s16, $0xb8;
	[tilespmem:$0xB720] =	vst v63  }
0x88: {  	_ =	swait.ge [sflag:s28], $0x500  }
0x89: {  	[sflag:s28] =	ssyncset.done $0x0  }
0x8a: {  	s21 =	simm.s32 $0x4D30;
	[sflag:s28] =	ssyncadd.s32 $0xFFFFFB00  }
0x8b: {  	[spmem:s3] =	stream.indirect.scatter.add.f32 [tilespmem:s20], [sflag:$0x8], $0x10, s21, s16, $0xb8;
	[tilespmem:$0xB720] =	vst v63  }
0x8c: {  	_ =	swait.ge [sflag:s29], $0x500  }
0x8d: {  	[sflag:s29] =	ssyncset.done $0x0  }
0x8e: {  	s6 =	simm.s32 $0x4D80;
	[sflag:s29] =	ssyncadd.s32 $0xFFFFFB00  }
0x8f: {  	[spmem:s3] =	stream.indirect.scatter.add.f32 [tilespmem:s22], [sflag:$0x9], $0x10, s6, s16, $0xb8;
	[tilespmem:$0xB720] =	vst v63  }
0x90: {  	_ =	swait.ge [sflag:s30], $0x500  }
0x91: {  	[sflag:s30] =	ssyncset.done $0x0  }
0x92: {  	s21 =	simm.s32 $0x4DD0;
	[sflag:s30] =	ssyncadd.s32 $0xFFFFFB00  }
0x93: {  	[spmem:s3] =	stream.indirect.scatter.add.f32 [tilespmem:s24], [sflag:$0xA], $0x10, s21, s16, $0xb8;
	[tilespmem:$0xB720] =	vst v63  }
0x94: {  	_ =	swait.ge [sflag:s31], $0x500  }
0x95: {  	[sflag:s31] =	ssyncset.done $0x0  }
0x96: {  	[sflag:s31] =	ssyncadd.s32 $0xFFFFFB00  }
0x97: {  	_ =	swait.ge [sflag:s1], $0x500  }
0x98: {  	[sflag:s1] =	ssyncset.done $0x0  }
0x99: {  	[sflag:s1] =	ssyncadd.s32 $0xFFFFFB00  }
0x9a: {  	_ =	swait.ge [sflag:s0], $0x500  }
0x9b: {  	[sflag:s0] =	ssyncset.done $0x0  }
0x9c: {  	[sflag:s0] =	ssyncadd.s32 $0xFFFFFB00  }
0x9d: {  	_ =	swait.ge [sflag:s12], $0x500  }
0x9e: {  	[sflag:s12] =	ssyncset.done $0x0  }
0x9f: {  	[sflag:s12] =	ssyncadd.s32 $0xFFFFFB00  }
0xa0: {  	_ =	swait.ge [sflag:s19], $0x500  }
0xa1: {  	s23 =	sadd.s32 $0x1, s23;
	[sflag:s19] =	ssyncset.done $0x0  }
0xa2: {  	p0 =	sne.s32 s23, s9;
	[sflag:s19] =	ssyncadd.s32 $0xFFFFFB00  }
.Ltmp1:
0xa3: {  	[bflag:$0x0] =	sbarrier.arrive $0xFFFF;
	(pc) =	sbr.rel @p0 .LBB2_1-.Ltmp1, $4  }
0xa4: {  	[hbm:s10], [sflag:s13] =	dma.local [spmem:s15], $0x500  }
0xa5: {  	_ =	swait.ge [sflag:s11], $0x500  }
0xa6: {  	[sflag:s11] =	ssyncset.done $0x0  }
0xa7: {  	[sflag:s11] =	ssyncadd.s32 $0xFFFFFB00  }
0xa8: {  	_ =	sfence.sel $0x180000  }
0xa9: {  	[bflag:$0x0] =	sbarrier.arrive $0xFFFF  }
0xaa: {  	_ =	strace $0x9000004A  }
0xab: {  	s0 =	stileid.u32;
	[bflag:$0x2] =	sbarrier.arrive $0xFFFF  }
0xac: {  	p0 =	sne.s32 s0, $0x0;
	s0 =	rddreg [dreg:$0x3]  }
0xad: {  	s0 =	sadd.s32 @!p0 $0x100000, s0  }
0xae: {  	[sflag:s0] =	ssyncadd.tile.s32 @!p0 $0x1;
	_ =	shalt  }
.Lfunc_end2:
_tile_overlayer_lowered:
.L_overlay_start_2:
0xaf: {  	(tag) =	ssettag $0x2  }
0xb0: {  	s0 =	rddreg [dreg:$0x0];
	s2 =	stileid.u32  }
0xb1: {  	s1 =	rddreg [dreg:$0x1];
	p0 =	sne.s32 s2, $0x0  }
0xb2: {  	s3 =	rddreg [dreg:$0x2];
	[bflag:$0x3] =	sbarrier.arrive $0xFFFF;
	s2 =	simm.s32 @!p0 $0x1C0B  }
0xb3: {  	[timem:s3], [sflag:s2] =	dma.local @!p0 [hbm:s0], s1  }
0xb4: {  	s0 =	simm.s32 @!p0 $0xB  }
0xb5: {  	_ =	swait.ge @!p0 [sflag:s0], s1  }
0xb6: {  	s1 =	ssub.s32 @!p0 $0x0, s1;
	[sflag:s0] =	ssyncset.done @!p0 $0x0  }
0xb7: {  	[sflag:s0] =	ssyncadd.s32 @!p0 s1  }
0xb8: {  	[bflag:$0x3] =	sbarrier.arrive $0xFFFF  }
0xb9: {  	_ =	shalt  }

// kernel: kernel.9.cloned.1.call-start
scs
__scs_entry_jumppad:
0x0: {  	(pc) =	sbr.rel $0x88, $3  }
0x1: {  	(tag) =	ssettag $0x0;
	lr =	simm.s32 $0x1  }
0x2: {  	[smem:$0x3F91] =	sst lr;
	_ =	strace $0xD0000000  }
0x3: {  	_ = 	snop  }
0x4: {  	_ = 	snop  }
0x5: {  	_ = 	snop  }
0x6: {  	_ = 	snop  }
0x7: {  	_ = 	snop  }
__scs_overlays_trampoline_lowered:
0x8: {  	[smem:$0x3FA0] =	sst s0  }
0x9: {  	[smem:$0x3FA1] =	sst s1  }
0xa: {  	[smem:$0x3FA2] =	sst s2  }
0xb: {  	[smem:$0x3FA3] =	sst s3  }
0xc: {  	[smem:$0x3FA4] =	sst s4  }
0xd: {  	[smem:$0x3FA5] =	sst s5  }
0xe: {  	[smem:$0x3FA6] =	sst s6  }
0xf: {  	[smem:$0x3FA7] =	sst s7  }
0x10: {  	[smem:$0x3FA8] =	sst s8  }
0x11: {  	[smem:$0x3FA9] =	sst s9;
	s0 =	simm.s32 @!p0 $0x0  }
0x12: {  	s1 =	sld [smem:$0x3F8F];
	s0 =	simm.s32 @p0 $0x1  }
0x13: {  	[smem:$0x3FAA] =	sst s0;
	s0 =	simm.s32 @!p1 $0x0  }
0x14: {  	s2 =	sld [smem:$0x3F8E];
	s0 =	simm.s32 @p1 $0x1  }
0x15: {  	[smem:$0x3FAB] =	sst s0;
	s0 =	simm.s32 @!p2 $0x0  }
0x16: {  	s3 =	sld [smem:$0x3FDB];
	s0 =	simm.s32 @p2 $0x1  }
0x17: {  	s4 =	simm.s32 $0x1BF5;
	[smem:$0x3FAD] =	sst s0  }
0x18: {  	s0 =	sld [smem:$0x3F90];
	_ =	swait.ge [sflag:s4], $0x0  }
0x19: {  	s7 =	sld [smem:$0x3F91]  }
0x1a: {  	s8 =	sadd.s32 $0xFFFFE003, lr  }
0x1b: {  	s9 =	sadd.s32 $0xFFFFFEF7, lr;
	s5 =	simm.s32 $0xFFFFFFFF;
	p2 =	slt.u32 s8, $0xFFFFF086  }
0x1c: {  	p1 =	slt.u32 s9, $0xF7A;
	s5 =	simm.s32 @!p2 $0x0  }
0x1d: {  	s5 =	simm.s32 @p1 $0x1;
	p0 =	seq.s32 s7, s2  }
0x1e: {  	s7 =	smul.u32 @!p0 $0xF7A, s2;
	p2 =	seq.s32 @!p0 s5, $0x0  }
0x1f: {  	s9 =	smul.u32 $0xF7A, s1;
	s8 =	simm.s32 @!p0 $0x1BF5;
	p2 =	por !p2, p0  }
0x20: {  	[sflag:s8] =	ssyncset.s32 @!p0 $0xFFFFF086;
	s6 =	sadd.s32 @!p0 s3, s7;
	s7 =	simm.s32 @!p0 $0x108  }
0x21: {  	s3 =	sadd.s32 s3, s9;
	s6 =	sadd.s32 @!p0 $0x88, s6;
	s7 =	simm.s32 @p2 $0x1082  }
0x22: {  	[simem:s7], [sflag:s8] =	dma.local @!p0 [hbm:s6], $0xF7A  }
0x23: {  	s9 =	sor.u32 $0xD0000000, s2;
	s6 =	simm.s32 $0x108;
	_ =	swait.ge @!p0 [sflag:s8], $0x0  }
0x24: {  	s3 =	sadd.s32 $0x88, s3;
	s6 =	simm.s32 @!p1 $0x1082;
	[sflag:s4] =	ssyncset.s32 $0xFFFFF086  }
0x25: {  	[simem:s6], [sflag:s4] =	dma.local [hbm:s3], $0xF7A  }
0x26: {  	[smem:$0x3F91] =	sst s1;
	(tag) =	ssettag s2;
	_ =	strace s9  }
0x27: {  	s1 =	sld [smem:$0x3FA1]  }
0x28: {  	s2 =	sld [smem:$0x3FA2]  }
0x29: {  	s4 =	sld [smem:$0x3FA4]  }
0x2a: {  	p0 =	seq.s32 s5, $0x0;
	s5 =	sld [smem:$0x3FA5]  }
0x2b: {  	s6 =	sld [smem:$0x3FA6]  }
0x2c: {  	s7 =	sld [smem:$0x3FA7]  }
0x2d: {  	s3 =	simm.s32 $0x108;
	s8 =	sld [smem:$0x3FA8]  }
0x2e: {  	s3 =	simm.s32 @!p0 $0x1082;
	s9 =	sld [smem:$0x3FA9]  }
0x2f: {  	lr =	sadd.s32 s0, s3;
	s0 =	sld [smem:$0x3FA0]  }
0x30: {  	s3 =	sld [smem:$0x3FA3]  }
0x31: {  	[smem:$0x3FAC] =	sst s10  }
0x32: {  	s10 =	sld [smem:$0x3FAA];
	_ =	sdelay $0x3  }
0x33: {  	p0 =	seq.s32 s10, $0x1;
	s10 =	sld [smem:$0x3FAC];
	_ =	sdelay $0x3  }
0x34: {  	[smem:$0x3FAC] =	sst s10  }
0x35: {  	s10 =	sld [smem:$0x3FAB];
	_ =	sdelay $0x3  }
0x36: {  	p1 =	seq.s32 s10, $0x1;
	s10 =	sld [smem:$0x3FAC];
	_ =	sdelay $0x3  }
0x37: {  	[smem:$0x3FAC] =	sst s10  }
0x38: {  	s10 =	sld [smem:$0x3FAD]  }
0x39: {  	_ = 	snop;
	(pc) =	sbr.ind lr, $3  }
0x3a: {  	_ = 	snop  }
0x3b: {  	_ = 	snop  }
0x3c: {  	p2 =	seq.s32 s10, $0x1;
	s10 =	sld [smem:$0x3FAC]  }
0x3d: {  	_ =	shalt  }
0x3e: {  	_ =	shalt  }
0x3f: {  	_ =	shalt  }
0x40: {  	_ =	shalt  }
0x41: {  	_ =	shalt  }
0x42: {  	_ =	shalt  }
0x43: {  	_ =	shalt  }
0x44: {  	_ =	shalt  }
0x45: {  	_ =	shalt  }
0x46: {  	_ =	shalt  }
0x47: {  	_ =	shalt  }
0x48: {  	_ =	shalt  }
0x49: {  	_ =	shalt  }
0x4a: {  	_ =	shalt  }
0x4b: {  	_ =	shalt  }
0x4c: {  	_ =	shalt  }
0x4d: {  	_ =	shalt  }
0x4e: {  	_ =	shalt  }
0x4f: {  	_ =	shalt  }
0x50: {  	_ =	shalt  }
0x51: {  	_ =	shalt  }
0x52: {  	_ =	shalt  }
0x53: {  	_ =	shalt  }
0x54: {  	_ =	shalt  }
0x55: {  	_ =	shalt  }
0x56: {  	_ =	shalt  }
0x57: {  	_ =	shalt  }
0x58: {  	_ =	shalt  }
0x59: {  	_ =	shalt  }
0x5a: {  	_ =	shalt  }
0x5b: {  	_ =	shalt  }
0x5c: {  	_ =	shalt  }
0x5d: {  	_ =	shalt  }
0x5e: {  	_ =	shalt  }
0x5f: {  	_ =	shalt  }
0x60: {  	_ =	shalt  }
0x61: {  	_ =	shalt  }
0x62: {  	_ =	shalt  }
0x63: {  	_ =	shalt  }
0x64: {  	_ =	shalt  }
0x65: {  	_ =	shalt  }
0x66: {  	_ =	shalt  }
0x67: {  	_ =	shalt  }
0x68: {  	_ =	shalt  }
0x69: {  	_ =	shalt  }
0x6a: {  	_ =	shalt  }
0x6b: {  	_ =	shalt  }
0x6c: {  	_ =	shalt  }
0x6d: {  	_ =	shalt  }
0x6e: {  	_ =	shalt  }
0x6f: {  	_ =	shalt  }
0x70: {  	_ =	shalt  }
0x71: {  	_ =	shalt  }
0x72: {  	_ =	shalt  }
0x73: {  	_ =	shalt  }
0x74: {  	_ =	shalt  }
0x75: {  	_ =	shalt  }
0x76: {  	_ =	shalt  }
0x77: {  	_ =	shalt  }
0x78: {  	_ =	shalt  }
0x79: {  	_ =	shalt  }
0x7a: {  	_ =	shalt  }
0x7b: {  	_ =	shalt  }
0x7c: {  	_ =	shalt  }
0x7d: {  	_ =	shalt  }
0x7e: {  	_ =	shalt  }
0x7f: {  	_ =	shalt  }
0x80: {  	_ =	shalt  }
0x81: {  	_ =	shalt  }
0x82: {  	_ =	shalt  }
0x83: {  	_ =	shalt  }
0x84: {  	_ =	shalt  }
0x85: {  	_ =	shalt  }
0x86: {  	_ =	shalt  }
0x87: {  	_ =	shalt  }
.Lfunc_end0:
.L_simem_size_0:
called_computation_lowered:
.L_overlay_start_0:
0x88: {  	s2 =	sld [smem:$0x3FD9]  }
0x89: {  	s3 =	sld [smem:$0x3FFE];
	_ =	sdelay $0x1  }
0x8a: {  	s1 =	srdreg.scid  }
0x8b: {  	s0 =	sand.u32 $0x1, s1  }
0x8c: {  	s16 =	sshll.u32 s0, $0xA;
	s2 =	sadd.s32 s3, s2  }
0x8d: {  	s2 =	sadd.s32 s2, s16  }
0x8e: {  	[smem:$0x3FB8] =	sst s2  }
0x8f: {  	_ = 	snop  }
0x90: {  	(tm) =	ssettm $0x1  }
0x91: {  	s17 =	sld [smem:$0x3FFB];
	_ =	sdelay $0x3  }
0x92: {  	_ =	strace s17  }
0x93: {  	s2 =	sld [smem:$0x3FFC];
	_ =	sdelay $0x3  }
0x94: {  	_ =	strace s2  }
0x95: {  	s2 =	sld [smem:$0x3FFD];
	_ =	sdelay $0x3  }
0x96: {  	_ =	strace s2  }
0x97: {  	_ =	strace $0x8FFFFFFF  }
0x98: {  	s18 =	sld [smem:$0x3FDB];
	_ =	sdelay $0x1  }
0x99: {  	s19 =	simm.s32 $_scs_section_size  }
0x9a: {  	s4 =	simm.s32 $_size__tile_overlayer_lowered;
	s5 =	simm.s32 $_tile_overlayer_lowered  }
0x9b: {  	s22 =	simm.s32 $0x1BFF;
	s21 =	sshll.u32 s5, $0x1;
	s2 =	sadd.s32 s19, s18  }
0x9c: {  	s6 =	simm.s32 $0x0;
	s20 =	sshll.u32 s4, $0x1;
	s4 =	sadd.s32 s21, s2  }
0x9d: {  	[timem:s6], [sflag:s22] =	dma.local [hbm:s4], s20  }
0x9e: {  	_ =	swait.ge [sflag:s22], s20  }
0x9f: {  	s3 =	ssub.s32 $0x0, s20;
	[sflag:s22] =	ssyncset.done $0x0  }
0xa0: {  	[sflag:s22] =	ssyncadd.s32 s3;
	_ =	sdelay $0x1  }
0xa1: {  	s23 =	simm.s32 $0x1B8B  }
0xa2: {  	_ =	swait.ge [sflag:s23], $0x1  }
0xa3: {  	[sflag:s23] =	ssyncset.done $0x0  }
0xa4: {  	s25 =	simm.s32 $0x1B8E;
	s24 =	sld [smem:$0x3FFE];
	[sflag:s23] =	ssyncadd.s32 $0xFFFFFFFF  }
0xa5: {  	s26 =	simm.s32 $execute0_lowered;
	[smem:$0x3FD2] =	sst s25  }
0xa6: {  	s4 =	sshll.u32 s26, $0x1;
	_ =	strace $0x80000046;
	[dreg:$0x1] =	wrdreg $0xFFFFFFFF  }
0xa7: {  	s28 =	simm.s32 $_size_execute0_lowered;
	s2 =	sadd.s32 s2, s4;
	[dreg:$0x0] =	wrdreg $0x0  }
0xa8: {  	s4 =	sshll.u32 s28, $0x1;
	[dreg:$0x2] =	wrdreg s2  }
0xa9: {  	[dreg:$0x3] =	wrdreg s4  }
0xaa: {  	[dreg:$0x4] =	wrdreg $0xC0  }
0xab: {  	_ =	task [dreg:s6], $0x5FFFF  }
0xac: {  	[dreg:$0x1] =	wrdreg $0xFFFFFFFF  }
0xad: {  	[dreg:$0x0] =	wrdreg $0x60  }
0xae: {  	[dreg:$0x2] =	wrdreg s24  }
0xaf: {  	[dreg:$0x3] =	wrdreg $0x8F200  }
0xb0: {  	[dreg:$0x4] =	wrdreg $0x67200  }
0xb1: {  	[dreg:$0x5] =	wrdreg $0x9  }
0xb2: {  	_ =	task.clear_ibuf [dreg:s6], $0x6FFFF;
	_ =	strace $0x90000046  }
0xb3: {  	s29 =	simm.s32 $0x9;
	_ =	strace $0x80000048  }
0xb4: {  	_ =	swait.ge [sflag:s29], $0x1  }
0xb5: {  	[sflag:s29] =	ssyncadd.s32 $0xFFFFFFFF  }
0xb6: {  	_ =	strace $0x90000048  }
0xb7: {  	_ =	sfence  }
0xb8: {  	s30 =	sld [smem:$0x0];
	_ =	sdelay $0x2  }
0xb9: {  	s31 =	sshll.u32 s1, $0xD;
	s1 =	sshrl.u32 s1, $0x2  }
0xba: {  	s3 =	sand.u32 $0x4000, s31;
	s1 =	sadd.s32 s1, s30  }
0xbb: {  	s0 =	sor.u32 s3, s0;
	s1 =	sshll.u32 s1, $0x11  }
0xbc: {  	s0 =	sor.u32 s1, s0  }
0xbd: {  	s0 =	sadd.s32 $0x8F2B, s0  }
0xbe: {  	[sflag:s0] =	ssyncadd.remote.s32 $0x1  }
0xbf: {  	_ =	sfence.sel $0xFFFF  }
0xc0: {  	[dreg:$0x0] =	wrdreg $0xFFFFFFFF;
	(pc) =	sbr.abs _section_cstart, $3  }
0xc1: {  	[dreg:$0x1] =	wrdreg $0xFFFFFFFF  }
0xc2: {  	_ =	task.clear_ibuf [dreg:s6], $0x2FFFF;
	_ =	strace $0x9FFFFFFF  }
0xc3: {  	(tm) =	ssettm $0x7FFFFFFF  }
tec
execute0_lowered:
.L_overlay_start_1:
0x0: {  	(tag) =	ssettag $0x1  }
0x1: {  	s0 =	srdreg.scid;
	s1 =	rddreg [dreg:$0x0]  }
0x2: {  	s2 =	rddreg [dreg:$0x1];
	s11 =	stileid.u32  }
0x3: {  	s3 =	rddreg [dreg:$0x2];
	s16 =	simm.s32 $0x50;
	s17 =	simm.s32 $0x4E20  }
0x4: {  	s18 =	simm.s32 $0x5320;
	s20 =	simm.s32 $0x5820;
	s22 =	simm.s32 $0x5D20  }
0x5: {  	s28 =	simm.s32 $0x3;
	s29 =	simm.s32 $0x4;
	s30 =	simm.s32 $0x5  }
0x6: {  	s31 =	simm.s32 $0x6;
	s19 =	simm.s32 $0xA;
	s23 =	simm.s32 $0x0  }
0x7: {  	s0 =	sand.u32 $0x1, s0;
	s8 =	smul.u32 $0x2800, s11;
	s26 =	sshll.u32 s11, $0x6  }
0x8: {  	s4 =	sshll.u32 s0, $0x4;
	s6 =	ssub.s32 $0x2, s0;
	p0 =	seq.s32 s0, $0x1  }
0x9: {  	s0 =	simm.s32 $0x26C00;
	s13 =	sor.u32 $0x1C0B, s26;
	s26 =	simm.s32 $0x2  }
0xa: {  	s5 =	sor.u32 s11, s4;
	s4 =	simm.s32 $0x0;
	s7 =	sshrl.u32 s8, $0x3  }
0xb: {  	s9 =	sshrl.u32 s6, $0x1;
	s25 =	sadd.s32 s8, s2;
	s12 =	sadd.s32 s8, s3  }
0xc: {  	s0 =	simm.s32 @!p0 $0x21C00;
	s11 =	simm.s32 $0xB;
	s5 =	smul.u32 $0x2710, s5  }
0xd: {  	[smem:$0x7FF] =	sst s4;
	s9 =	ssub.s32 s6, s9;
	s14 =	sshrl.u32 s25, $0x3  }
0xe: {  	s15 =	sshrl.u32 s12, $0x3;
	s25 =	simm.s32 $0x1;
	s5 =	sshrl.u32 s5, $0x3  }
0xf: {  	s12 =	simm.s32 $0x9;
	_ =	strace $0x80000047;
	s5 =	sadd.s32 s5, s1  }
0x10: {  	s9 =	smax.u32 s9, $0x1;
	s1 =	sadd.s32 s7, s1;
	s24 =	sadd.s32 $0x4200, s5  }
0x11: {  	s5 =	sadd.s32 $0xDE40, s5;
	s7 =	sadd.s32 $0x17C00, s1;
	s8 =	sadd.s32 $0x1CC00, s1  }
0x12: {  	s10 =	sadd.s32 s0, s1;
	s1 =	simm.s32 $0x7;
	[dreg:$0x4] =	wrdreg s24  }
0x13: {  	s0 =	simm.s32 $0x8;
	[dreg:$0x5] =	wrdreg s5;
	s24 =	simm.s32 $0x6220  }
.LBB2_1:
0x14: {  	s5 =	rddreg [dreg:$0x4]  }
0x15: {  	[tilespmem:s4], [sflag:$0xB] =	stream.linear.gather [hbm4b:s5+s4], $0x2710, $0x38;
	[tilespmem:$0xB720] =	vst v63  }
0x16: {  	_ =	swait.ge [sflag:s11], $0x2710  }
0x17: {  	[sflag:s11] =	ssyncset.done $0x0  }
0x18: {  	s6 =	simm.s32 $0x2710;
	s21 =	rddreg [dreg:$0x5];
	[sflag:s11] =	ssyncadd.s32 $0xFFFFD8F0  }
0x19: {  	[tilespmem:s6], [sflag:$0xB] =	stream.linear.gather [hbm4b:s21+s4], $0x2710, $0x38;
	[tilespmem:$0xB720] =	vst v63  }
0x1a: {  	_ =	swait.ge [sflag:s11], $0x2710  }
0x1b: {  	[sflag:s11] =	ssyncset.done $0x0  }
0x1c: {  	[sflag:s11] =	ssyncadd.s32 $0xFFFFD8F0  }
0x1d: {  	[spmem:s14], [sflag:s13] =	dma.local [hbm:s7], $0x500  }
0x1e: {  	_ =	swait.ge [sflag:s11], $0x500  }
0x1f: {  	[sflag:s11] =	ssyncset.done $0x0  }
0x20: {  	[sflag:s11] =	ssyncadd.s32 $0xFFFFFB00  }
0x21: {  	[spmem:s15], [sflag:s13] =	dma.local [hbm:s8], $0x500  }
0x22: {  	_ =	swait.ge [sflag:s11], $0x500  }
0x23: {  	[sflag:s11] =	ssyncset.done $0x0  }
0x24: {  	[sflag:s11] =	ssyncadd.s32 $0xFFFFFB00  }
0x25: {  	[bflag:$0x0] =	sbarrier.arrive $0xFFFF  }
0x26: {  	[tilespmem:s17], [sflag:$0x1] =	stream.indirect.gather [spmem:s2], $0x10, s4, s16, $0xb8;
	[tilespmem:$0xB720] =	vst v63  }
0x27: {  	_ = 	snop  }
0x28: {  	[tilespmem:s18], [sflag:$0x2] =	stream.indirect.gather [spmem:s2], $0x10, s16, s16, $0xb8;
	[tilespmem:$0xB720] =	vst v63  }
0x29: {  	s6 =	simm.s32 $0xA0  }
0x2a: {  	[tilespmem:s20], [sflag:$0x3] =	stream.indirect.gather [spmem:s2], $0x10, s6, s16, $0xb8;
	[tilespmem:$0xB720] =	vst v63  }
0x2b: {  	s21 =	simm.s32 $0xF0  }
0x2c: {  	[tilespmem:s22], [sflag:$0x4] =	stream.indirect.gather [spmem:s2], $0x10, s21, s16, $0xb8;
	[tilespmem:$0xB720] =	vst v63  }
0x2d: {  	s6 =	simm.s32 $0x140  }
0x2e: {  	[tilespmem:s24], [sflag:$0x5] =	stream.indirect.gather [spmem:s2], $0x10, s6, s16, $0xb8;
	[tilespmem:$0xB720] =	vst v63  }
0x2f: {  	_ =	swait.ge [sflag:s25], $0x500  }
0x30: {  	[sflag:s25] =	ssyncset.done $0x0  }
0x31: {  	s21 =	simm.s32 $0x2710;
	[sflag:s25] =	ssyncadd.s32 $0xFFFFFB00  }
0x32: {  	[spmem:s3] =	stream.indirect.scatter.add.f32 [tilespmem:s17], [sflag:$0x6], $0x10, s21, s16, $0xb8;
	[tilespmem:$0xB720] =	vst v63  }
0x33: {  	_ =	swait.ge [sflag:s26], $0x500  }
0x34: {  	[sflag:s26] =	ssyncset.done $0x0  }
0x35: {  	s6 =	simm.s32 $0x2760;
	[sflag:s26] =	ssyncadd.s32 $0xFFFFFB00  }
0x36: {  	[spmem:s3] =	stream.indirect.scatter.add.f32 [tilespmem:s18], [sflag:$0x7], $0x10, s6, s16, $0xb8;
	[tilespmem:$0xB720] =	vst v63  }
0x37: {  	_ =	swait.ge [sflag:s28], $0x500  }
0x38: {  	[sflag:s28] =	ssyncset.done $0x0  }
0x39: {  	s21 =	simm.s32 $0x27B0;
	[sflag:s28] =	ssyncadd.s32 $0xFFFFFB00  }
0x3a: {  	[spmem:s3] =	stream.indirect.scatter.add.f32 [tilespmem:s20], [sflag:$0x8], $0x10, s21, s16, $0xb8;
	[tilespmem:$0xB720] =	vst v63  }
0x3b: {  	_ =	swait.ge [sflag:s29], $0x500  }
0x3c: {  	[sflag:s29] =	ssyncset.done $0x0  }
0x3d: {  	s6 =	simm.s32 $0x2800;
	[sflag:s29] =	ssyncadd.s32 $0xFFFFFB00  }
0x3e: {  	[spmem:s3] =	stream.indirect.scatter.add.f32 [tilespmem:s22], [sflag:$0x9], $0x10, s6, s16, $0xb8;
	[tilespmem:$0xB720] =	vst v63  }
0x3f: {  	_ =	swait.ge [sflag:s30], $0x500  }
0x40: {  	[sflag:s30] =	ssyncset.done $0x0  }
0x41: {  	s21 =	simm.s32 $0x2850;
	[sflag:s30] =	ssyncadd.s32 $0xFFFFFB00  }
0x42: {  	[spmem:s3] =	stream.indirect.scatter.add.f32 [tilespmem:s24], [sflag:$0xA], $0x10, s21, s16, $0xb8;
	[tilespmem:$0xB720] =	vst v63  }
0x43: {  	_ =	swait.ge [sflag:s31], $0x500  }
0x44: {  	[sflag:s31] =	ssyncset.done $0x0  }
0x45: {  	s6 =	simm.s32 $0x190;
	[sflag:s31] =	ssyncadd.s32 $0xFFFFFB00  }
0x46: {  	[tilespmem:s17], [sflag:$0x1] =	stream.indirect.gather [spmem:s2], $0x10, s6, s16, $0xb8;
	[tilespmem:$0xB720] =	vst v63  }
0x47: {  	_ =	swait.ge [sflag:s1], $0x500  }
0x48: {  	[sflag:s1] =	ssyncset.done $0x0  }
0x49: {  	s21 =	simm.s32 $0x1E0;
	[sflag:s1] =	ssyncadd.s32 $0xFFFFFB00  }
0x4a: {  	[tilespmem:s18], [sflag:$0x2] =	stream.indirect.gather [spmem:s2], $0x10, s21, s16, $0xb8;
	[tilespmem:$0xB720] =	vst v63  }
0x4b: {  	_ =	swait.ge [sflag:s0], $0x500  }
0x4c: {  	[sflag:s0] =	ssyncset.done $0x0  }
0x4d: {  	s6 =	simm.s32 $0x230;
	[sflag:s0] =	ssyncadd.s32 $0xFFFFFB00  }
0x4e: {  	[tilespmem:s20], [sflag:$0x3] =	stream.indirect.gather [spmem:s2], $0x10, s6, s16, $0xb8;
	[tilespmem:$0xB720] =	vst v63  }
0x4f: {  	_ =	swait.ge [sflag:s12], $0x500  }
0x50: {  	[sflag:s12] =	ssyncset.done $0x0  }
0x51: {  	s21 =	simm.s32 $0x280;
	[sflag:s12] =	ssyncadd.s32 $0xFFFFFB00  }
0x52: {  	[tilespmem:s22], [sflag:$0x4] =	stream.indirect.gather [spmem:s2], $0x10, s21, s16, $0xb8;
	[tilespmem:$0xB720] =	vst v63  }
0x53: {  	_ =	swait.ge [sflag:s19], $0x500  }
0x54: {  	[sflag:s19] =	ssyncset.done $0x0  }
0x55: {  	s5 =	simm.s32 $0x2D0;
	s21 =	simm.s32 $0x640;
	[sflag:s19] =	ssyncadd.s32 $0xFFFFFB00  }
.LBB2_2:
0x56: {  	[tilespmem:s24], [sflag:$0x5] =	stream.indirect.gather [spmem:s2], $0x10, s5, s16, $0xb8;
	[tilespmem:$0xB720] =	vst v63  }
0x57: {  	s5 =	smov.u32 s21  }
0x58: {  	p0 =	sne.s32 s21, $0x8FC0;
	s21 =	sadd.s32 $0x640, s21;
	_ =	swait.ge [sflag:s25], $0x500  }
0x59: {  	s5 =	sshra.s32 s5, $0x2;
	[sflag:s25] =	ssyncset.done $0x0  }
0x5a: {  	s6 =	sadd.s32 $0x2710, s5;
	[sflag:s25] =	ssyncadd.s32 $0xFFFFFB00  }
0x5b: {  	[spmem:s3] =	stream.indirect.scatter.add.f32 [tilespmem:s17], [sflag:$0x6], $0x10, s6, s16, $0xb8;
	[tilespmem:$0xB720] =	vst v63  }
0x5c: {  	_ =	swait.ge [sflag:s26], $0x500  }
0x5d: {  	[sflag:s26] =	ssyncset.done $0x0  }
0x5e: {  	s6 =	sadd.s32 $0x2760, s5;
	[sflag:s26] =	ssyncadd.s32 $0xFFFFFB00  }
0x5f: {  	[spmem:s3] =	stream.indirect.scatter.add.f32 [tilespmem:s18], [sflag:$0x7], $0x10, s6, s16, $0xb8;
	[tilespmem:$0xB720] =	vst v63  }
0x60: {  	_ =	swait.ge [sflag:s28], $0x500  }
0x61: {  	[sflag:s28] =	ssyncset.done $0x0  }
0x62: {  	s6 =	sadd.s32 $0x27B0, s5;
	[sflag:s28] =	ssyncadd.s32 $0xFFFFFB00  }
0x63: {  	[spmem:s3] =	stream.indirect.scatter.add.f32 [tilespmem:s20], [sflag:$0x8], $0x10, s6, s16, $0xb8;
	[tilespmem:$0xB720] =	vst v63  }
0x64: {  	_ =	swait.ge [sflag:s29], $0x500  }
0x65: {  	[sflag:s29] =	ssyncset.done $0x0  }
0x66: {  	s6 =	sadd.s32 $0x2800, s5;
	[sflag:s29] =	ssyncadd.s32 $0xFFFFFB00  }
0x67: {  	[spmem:s3] =	stream.indirect.scatter.add.f32 [tilespmem:s22], [sflag:$0x9], $0x10, s6, s16, $0xb8;
	[tilespmem:$0xB720] =	vst v63  }
0x68: {  	_ =	swait.ge [sflag:s30], $0x500  }
0x69: {  	[sflag:s30] =	ssyncset.done $0x0  }
0x6a: {  	s6 =	sadd.s32 $0x2850, s5;
	[sflag:s30] =	ssyncadd.s32 $0xFFFFFB00  }
0x6b: {  	[spmem:s3] =	stream.indirect.scatter.add.f32 [tilespmem:s24], [sflag:$0xA], $0x10, s6, s16, $0xb8;
	[tilespmem:$0xB720] =	vst v63  }
0x6c: {  	_ =	swait.ge [sflag:s31], $0x500  }
0x6d: {  	[sflag:s31] =	ssyncset.done $0x0  }
0x6e: {  	s6 =	sadd.s32 $0x190, s5;
	[sflag:s31] =	ssyncadd.s32 $0xFFFFFB00  }
0x6f: {  	[tilespmem:s17], [sflag:$0x1] =	stream.indirect.gather [spmem:s2], $0x10, s6, s16, $0xb8;
	[tilespmem:$0xB720] =	vst v63  }
0x70: {  	_ =	swait.ge [sflag:s1], $0x500  }
0x71: {  	[sflag:s1] =	ssyncset.done $0x0  }
0x72: {  	s6 =	sadd.s32 $0x1E0, s5;
	[sflag:s1] =	ssyncadd.s32 $0xFFFFFB00  }
0x73: {  	[tilespmem:s18], [sflag:$0x2] =	stream.indirect.gather [spmem:s2], $0x10, s6, s16, $0xb8;
	[tilespmem:$0xB720] =	vst v63  }
0x74: {  	_ =	swait.ge [sflag:s0], $0x500  }
0x75: {  	[sflag:s0] =	ssyncset.done $0x0  }
0x76: {  	s6 =	sadd.s32 $0x230, s5;
	[sflag:s0] =	ssyncadd.s32 $0xFFFFFB00  }
0x77: {  	[tilespmem:s20], [sflag:$0x3] =	stream.indirect.gather [spmem:s2], $0x10, s6, s16, $0xb8;
	[tilespmem:$0xB720] =	vst v63  }
0x78: {  	_ =	swait.ge [sflag:s12], $0x500  }
0x79: {  	[sflag:s12] =	ssyncset.done $0x0  }
.Ltmp0:
0x7a: {  	s6 =	sadd.s32 $0x280, s5;
	[sflag:s12] =	ssyncadd.s32 $0xFFFFFB00;
	(pc) =	sbr.rel @p0 .LBB2_2-.Ltmp0, $4  }
0x7b: {  	[tilespmem:s22], [sflag:$0x4] =	stream.indirect.gather [spmem:s2], $0x10, s6, s16, $0xb8;
	[tilespmem:$0xB720] =	vst v63  }
0x7c: {  	_ =	swait.ge [sflag:s19], $0x500  }
0x7d: {  	[sflag:s19] =	ssyncset.done $0x0  }
0x7e: {  	s5 =	sadd.s32 $0x2D0, s5;
	[sflag:s19] =	ssyncadd.s32 $0xFFFFFB00  }
0x7f: {  	[tilespmem:s24], [sflag:$0x5] =	stream.indirect.gather [spmem:s2], $0x10, s5, s16, $0xb8;
	[tilespmem:$0xB720] =	vst v63  }
0x80: {  	_ =	swait.ge [sflag:s25], $0x500  }
0x81: {  	[sflag:s25] =	ssyncset.done $0x0  }
0x82: {  	s21 =	simm.s32 $0x4C90;
	[sflag:s25] =	ssyncadd.s32 $0xFFFFFB00  }
0x83: {  	[spmem:s3] =	stream.indirect.scatter.add.f32 [tilespmem:s17], [sflag:$0x6], $0x10, s21, s16, $0xb8;
	[tilespmem:$0xB720] =	vst v63  }
0x84: {  	_ =	swait.ge [sflag:s26], $0x500  }
0x85: {  	[sflag:s26] =	ssyncset.done $0x0  }
0x86: {  	s6 =	simm.s32 $0x4CE0;
	[sflag:s26] =	ssyncadd.s32 $0xFFFFFB00  }
0x87: {  	[spmem:s3] =	stream.indirect.scatter.add.f32 [tilespmem:s18], [sflag:$0x7], $0x10, s6, s16, $0xb8;
	[tilespmem:$0xB720] =	vst v63  }
0x88: {  	_ =	swait.ge [sflag:s28], $0x500  }
0x89: {  	[sflag:s28] =	ssyncset.done $0x0  }
0x8a: {  	s21 =	simm.s32 $0x4D30;
	[sflag:s28] =	ssyncadd.s32 $0xFFFFFB00  }
0x8b: {  	[spmem:s3] =	stream.indirect.scatter.add.f32 [tilespmem:s20], [sflag:$0x8], $0x10, s21, s16, $0xb8;
	[tilespmem:$0xB720] =	vst v63  }
0x8c: {  	_ =	swait.ge [sflag:s29], $0x500  }
0x8d: {  	[sflag:s29] =	ssyncset.done $0x0  }
0x8e: {  	s6 =	simm.s32 $0x4D80;
	[sflag:s29] =	ssyncadd.s32 $0xFFFFFB00  }
0x8f: {  	[spmem:s3] =	stream.indirect.scatter.add.f32 [tilespmem:s22], [sflag:$0x9], $0x10, s6, s16, $0xb8;
	[tilespmem:$0xB720] =	vst v63  }
0x90: {  	_ =	swait.ge [sflag:s30], $0x500  }
0x91: {  	[sflag:s30] =	ssyncset.done $0x0  }
0x92: {  	s21 =	simm.s32 $0x4DD0;
	[sflag:s30] =	ssyncadd.s32 $0xFFFFFB00  }
0x93: {  	[spmem:s3] =	stream.indirect.scatter.add.f32 [tilespmem:s24], [sflag:$0xA], $0x10, s21, s16, $0xb8;
	[tilespmem:$0xB720] =	vst v63  }
0x94: {  	_ =	swait.ge [sflag:s31], $0x500  }
0x95: {  	[sflag:s31] =	ssyncset.done $0x0  }
0x96: {  	[sflag:s31] =	ssyncadd.s32 $0xFFFFFB00  }
0x97: {  	_ =	swait.ge [sflag:s1], $0x500  }
0x98: {  	[sflag:s1] =	ssyncset.done $0x0  }
0x99: {  	[sflag:s1] =	ssyncadd.s32 $0xFFFFFB00  }
0x9a: {  	_ =	swait.ge [sflag:s0], $0x500  }
0x9b: {  	[sflag:s0] =	ssyncset.done $0x0  }
0x9c: {  	[sflag:s0] =	ssyncadd.s32 $0xFFFFFB00  }
0x9d: {  	_ =	swait.ge [sflag:s12], $0x500  }
0x9e: {  	[sflag:s12] =	ssyncset.done $0x0  }
0x9f: {  	[sflag:s12] =	ssyncadd.s32 $0xFFFFFB00  }
0xa0: {  	_ =	swait.ge [sflag:s19], $0x500  }
0xa1: {  	s23 =	sadd.s32 $0x1, s23;
	[sflag:s19] =	ssyncset.done $0x0  }
0xa2: {  	p0 =	sne.s32 s23, s9;
	[sflag:s19] =	ssyncadd.s32 $0xFFFFFB00  }
.Ltmp1:
0xa3: {  	[bflag:$0x0] =	sbarrier.arrive $0xFFFF;
	(pc) =	sbr.rel @p0 .LBB2_1-.Ltmp1, $4  }
0xa4: {  	[hbm:s10], [sflag:s13] =	dma.local [spmem:s15], $0x500  }
0xa5: {  	_ =	swait.ge [sflag:s11], $0x500  }
0xa6: {  	[sflag:s11] =	ssyncset.done $0x0  }
0xa7: {  	[sflag:s11] =	ssyncadd.s32 $0xFFFFFB00  }
0xa8: {  	_ =	sfence.sel $0x180000  }
0xa9: {  	[bflag:$0x0] =	sbarrier.arrive $0xFFFF  }
0xaa: {  	_ =	strace $0x90000047  }
0xab: {  	s0 =	stileid.u32;
	[bflag:$0x2] =	sbarrier.arrive $0xFFFF  }
0xac: {  	p0 =	sne.s32 s0, $0x0;
	s0 =	rddreg [dreg:$0x3]  }
0xad: {  	s0 =	sadd.s32 @!p0 $0x100000, s0  }
0xae: {  	[sflag:s0] =	ssyncadd.tile.s32 @!p0 $0x1;
	_ =	shalt  }
.Lfunc_end2:
_tile_overlayer_lowered:
.L_overlay_start_2:
0xaf: {  	(tag) =	ssettag $0x2  }
0xb0: {  	s0 =	rddreg [dreg:$0x0];
	s2 =	stileid.u32  }
0xb1: {  	s1 =	rddreg [dreg:$0x1];
	p0 =	sne.s32 s2, $0x0  }
0xb2: {  	s3 =	rddreg [dreg:$0x2];
	[bflag:$0x3] =	sbarrier.arrive $0xFFFF;
	s2 =	simm.s32 @!p0 $0x1C0B  }
0xb3: {  	[timem:s3], [sflag:s2] =	dma.local @!p0 [hbm:s0], s1  }
0xb4: {  	s0 =	simm.s32 @!p0 $0xB  }
0xb5: {  	_ =	swait.ge @!p0 [sflag:s0], s1  }
0xb6: {  	s1 =	ssub.s32 @!p0 $0x0, s1;
	[sflag:s0] =	ssyncset.done @!p0 $0x0  }
0xb7: {  	[sflag:s0] =	ssyncadd.s32 @!p0 s1  }
0xb8: {  	[bflag:$0x3] =	sbarrier.arrive $0xFFFF  }
0xb9: {  	_ =	shalt  }

</sc_bundles>
